<compile_context>
chip_gen: v7x
topology: tpu7x:2x2x1
jax: 0.10.2.dev20260603
libtpu: 0.0.44.dev20260713+nightly
codegen_flags: <defaults>
</compile_context>

<pallas_src>
import functools

import jax
import jax.numpy as jnp
from jax import lax
from jax.experimental import pallas as pl
from jax.experimental.pallas import tpu as pltpu
from jax.experimental.pallas import tpu_sc as plsc

CK, CV, T, H, W = 64, 512, 50, 30, 30
HW = H * W
THW = T * HW
NCOLS = THW + HW
TOPK = 50
KP = 56
QP = 1024
QBLK = 128
CHUNK = 512
NCHUNK = 90
NCH_NEW = THW // CHUNK
NCOLS_PAD = NCHUNK * CHUNK
NEG = -1e30
IBIG = 2 ** 30


def _topk_body(qT_ref, km_ref, tmap_ref, wi_ref, w_ref, ti_ref, aff_ref):
    wi = wi_ref[0, 0]
    nch1 = jnp.minimum((wi * HW + CHUNK - 1) // CHUNK, NCH_NEW)
    iota_l = lax.broadcasted_iota(jnp.int32, (QBLK, CHUNK), 1)

    def mm_step(c, m1):
        a = jax.lax.dot_general(
            qT_ref[...], km_ref[c],
            (((1,), (0,)), ((), ())),
            preferred_element_type=jnp.float32,
        ) * jnp.float32(1.0 / 8.0)
        valid = tmap_ref[c] < wi
        a = jnp.where(valid, a, jnp.float32(NEG))
        aff_ref[c] = a
        cm = jnp.max(a, axis=1, keepdims=True)
        col = lax.broadcasted_iota(jnp.int32, (QBLK, NCHUNK), 1) == c
        return jnp.where(col, cm, m1)

    m1 = lax.fori_loop(0, nch1, mm_step,
                       jnp.full((QBLK, NCHUNK), NEG, dtype=jnp.float32))
    for c in range(NCH_NEW, NCHUNK):
        m1 = mm_step(c, m1)

    iota_k = lax.broadcasted_iota(jnp.int32, (QBLK, KP), 1)

    def iter_step(i, carry):
        m1, tv_acc, ti_acc = carry
        m = jnp.max(m1, axis=1, keepdims=True)

        def chunk_step(c, carry):
            idx, m1c = carry
            a = aff_ref[c]
            eq = a >= m
            cidx_l = jnp.min(jnp.where(eq, iota_l, IBIG), axis=1, keepdims=True)
            a2 = jnp.where(eq, jnp.float32(NEG), a)
            aff_ref[c] = a2
            cm = jnp.max(a2, axis=1, keepdims=True)
            col = lax.broadcasted_iota(jnp.int32, (QBLK, NCHUNK), 1) == c
            m1c = jnp.where(col, cm, m1c)
            return jnp.minimum(idx, cidx_l + c * CHUNK), m1c

        idx, m1 = lax.fori_loop(
            0, nch1, chunk_step,
            (jnp.full((QBLK, 1), IBIG, dtype=jnp.int32), m1))
        for c in range(NCH_NEW, NCHUNK):
            idx, m1 = chunk_step(c, (idx, m1))
        sel = iota_k == i
        tv_acc = jnp.where(sel, m, tv_acc)
        ti_acc = jnp.where(sel, idx, ti_acc)
        return m1, tv_acc, ti_acc

    _, tv_acc, ti_acc = lax.fori_loop(
        0, TOPK, iter_step,
        (m1,
         jnp.full((QBLK, KP), NEG, dtype=jnp.float32),
         jnp.zeros((QBLK, KP), dtype=jnp.int32)))

    ink = iota_k < TOPK
    mx = jnp.max(tv_acc, axis=1, keepdims=True)
    e = jnp.where(ink, jnp.exp(tv_acc - mx), 0.0)
    w_ref[...] = e / jnp.sum(e, axis=1, keepdims=True)
    ti_ref[...] = ti_acc


def _run_topk(qT, km3, tmap3, wi_arr):
    grid = QP // QBLK
    return pl.pallas_call(
        _topk_body,
        grid=(grid,),
        in_specs=[
            pl.BlockSpec((QBLK, CK), lambda p: (p, 0)),
            pl.BlockSpec((NCHUNK, CK, CHUNK), lambda p: (0, 0, 0)),
            pl.BlockSpec((NCHUNK, 1, CHUNK), lambda p: (0, 0, 0)),
            pl.BlockSpec(memory_space=pltpu.SMEM),
        ],
        out_specs=[
            pl.BlockSpec((QBLK, KP), lambda p: (p, 0)),
            pl.BlockSpec((QBLK, KP), lambda p: (p, 0)),
        ],
        out_shape=[
            jax.ShapeDtypeStruct((QP, KP), jnp.float32),
            jax.ShapeDtypeStruct((QP, KP), jnp.int32),
        ],
        scratch_shapes=[
            pltpu.VMEM((NCHUNK, QBLK, CHUNK), jnp.float32),
        ],
    )(qT, km3, tmap3, wi_arr)


def _sc_gather(table, ti):
    info = plsc.get_sparse_core_info()
    nw = info.num_cores * info.num_subcores
    q_per_w = QP // nw
    mesh = plsc.VectorSubcoreMesh(core_axis_name="c", subcore_axis_name="s")

    @functools.partial(
        pl.kernel, mesh=mesh,
        out_type=jax.ShapeDtypeStruct((QP * KP, CV), jnp.float32),
        scratch_types=[
            pltpu.VMEM((KP,), jnp.int32),
            pltpu.VMEM((KP, CV), jnp.float32),
            pltpu.SemaphoreType.DMA,
        ],
    )
    def k(ti_hbm, table_hbm, out_hbm, idx_v, rows_v, sem):
        wid = lax.axis_index("s") * info.num_cores + lax.axis_index("c")

        def body(j, carry):
            q = wid * q_per_w + j
            pltpu.sync_copy(ti_hbm.at[q], idx_v)
            pltpu.async_copy(table_hbm.at[idx_v], rows_v, sem).wait()
            pltpu.sync_copy(rows_v, out_hbm.at[pl.ds(q * KP, KP)])
            return carry

        lax.fori_loop(0, q_per_w, body, 0)

    return k(ti, table)


def _head_body(g_ref, w_ref, wm_ref, out_ref):
    g = g_ref[...]
    wts = w_ref[...]
    r = jnp.sum(g * wts[:, :, None], axis=1)
    logits = jax.lax.dot_general(
        r, wm_ref[...], (((1,), (0,)), ((), ())),
        preferred_element_type=jnp.float32)
    p = jax.nn.sigmoid(logits)
    bg = (1.0 - p[:, 0:1]) * (1.0 - p[:, 1:2])
    np_ = jnp.clip(jnp.concatenate([bg, p], axis=1), 1e-7, 1.0 - 1e-7)
    lg = jnp.log(np_ / (1.0 - np_))
    mx = jnp.max(lg, axis=1, keepdims=True)
    e = jnp.exp(lg - mx)
    sm = e / jnp.sum(e, axis=1, keepdims=True)
    out_ref[...] = jnp.concatenate(
        [sm, jnp.zeros((sm.shape[0], 1), jnp.float32)], axis=1)


def _run_head(g3, wts, wmT):
    grid = QP // QBLK
    return pl.pallas_call(
        _head_body,
        grid=(grid,),
        in_specs=[
            pl.BlockSpec((QBLK, KP, CV), lambda p: (p, 0, 0)),
            pl.BlockSpec((QBLK, KP), lambda p: (p, 0)),
            pl.BlockSpec((CV, 2), lambda p: (0, 0)),
        ],
        out_specs=pl.BlockSpec((QBLK, 4), lambda p: (p, 0)),
        out_shape=jax.ShapeDtypeStruct((QP, 4), jnp.float32),
    )(g3, wts, wmT)


def kernel(key_memory, val_memory, new_key, new_val, qk, W_mask,
           front_pointer, frame_idx):
    extend = (jnp.asarray(frame_idx, jnp.int32) % 5 == 0).astype(jnp.int32)
    wi = jnp.asarray(front_pointer, jnp.int32) + extend
    wi_arr = wi.reshape(1, 1)

    km2 = key_memory.reshape(CK, THW)
    nk2 = new_key.reshape(CK, HW)
    km_p = jnp.concatenate(
        [km2, nk2, jnp.zeros((CK, NCOLS_PAD - NCOLS), jnp.float32)], axis=1)
    km3 = km_p.reshape(CK, NCHUNK, CHUNK).transpose(1, 0, 2)

    tmap = jnp.concatenate([
        jnp.arange(THW, dtype=jnp.int32) // HW,
        jnp.full((HW,), -1, jnp.int32),
        jnp.full((NCOLS_PAD - NCOLS,), 10 ** 6, jnp.int32),
    ]).reshape(NCHUNK, 1, CHUNK)

    qf = qk.reshape(CK, HW)
    qT = jnp.concatenate(
        [qf.T, jnp.zeros((QP - HW, CK), jnp.float32)], axis=0)

    wts, ti = _run_topk(qT, km3, tmap, wi_arr)

    vmT = val_memory.reshape(CV, THW).T
    nvT = new_val.reshape(CV, HW).T
    table = jnp.concatenate([vmT, nvT], axis=0)

    g = _sc_gather(table, ti)
    mask = _run_head(g.reshape(QP, KP, CV), wts, W_mask.T)

    return mask[:HW, :3].T.reshape(1, 3, H, W)

# --- scband reference (transcript-rebuilt; emitter-appended) ---
"""Pipeline reference for scband-top-kstm-77257871720771 (READ-ONLY COPY).

The authoritative reference and input builder live on the scoring server;
editing this copy changes nothing except your own understanding.
"""

import jax, jax.numpy as jnp
import numpy as np


def setup_inputs(seed: int = 0) -> dict:
    key = jax.random.key(seed)
    ks = jax.random.split(key, 6)
    B, CK, CV, T, H, W = 1, 64, 512, 50, 30, 30
    return {
        "key_memory": jax.random.normal(ks[0], (B, CK, T, H, W), dtype=jnp.float32),
        "val_memory": jax.random.normal(ks[1], (B, CV, T, H, W), dtype=jnp.float32),
        "new_key": jax.random.normal(ks[2], (B, CK, 1, H, W), dtype=jnp.float32),
        "new_val": jax.random.normal(ks[3], (B, CV, 1, H, W), dtype=jnp.float32),
        "qk": jax.random.normal(ks[4], (B, CK, H, W), dtype=jnp.float32),
        "W_mask": jax.random.normal(ks[5], (2, CV), dtype=jnp.float32) * 0.02,
        "front_pointer": 40,
        "frame_idx": 10,
    }


def reference(key_memory, val_memory, new_key, new_val, qk, W_mask, front_pointer, frame_idx):
    mem_freq = 5
    top_k = 50
    # Memory.add_entry: scatter-overwrite the entry at the write pointer.
    # extend_memory (frame_idx % mem_freq == 0) advances the front pointer first.
    extend = (jnp.asarray(frame_idx) % mem_freq == 0).astype(jnp.int32)
    write_idx = jnp.asarray(front_pointer) + extend
    km = jax.lax.dynamic_update_slice(key_memory, new_key, (0, 0, write_idx, 0, 0))
    vm = jax.lax.dynamic_update_slice(val_memory, new_val, (0, 0, write_idx, 0, 0))
    # Memory.get(): valid memory is [:, :, :front_pointer+1]; expressed as a
    # fixed-shape mask over the full time axis.
    Tr = write_idx + 1
    B, CK, T, H, W = km.shape
    CV = vm.shape[1]
    valid_t = jnp.arange(T) < Tr  # [T]
    valid = jnp.repeat(valid_t, H * W)  # [T*H*W]
    # PropagationNetwork.segment_with_query: top-k STM memory readout
    mk = km.reshape(B, CK, T * H * W)
    qf = qk.reshape(B, CK, H * W)
    aff = jnp.einsum('bct,bcq->btq', mk, qf) / jnp.sqrt(jnp.float32(CK))  # [B, THW, HW]
    aff = jnp.where(valid[None, :, None], aff, -jnp.inf)
    affT = jnp.swapaxes(aff, 1, 2)  # [B, HW, THW]
    tv, ti = jax.lax.top_k(affT, top_k)  # [B, HW, k]
    wts = jax.nn.softmax(tv, axis=-1)
    mv = vm.reshape(B, CV, T * H * W)
    gathered = jnp.take_along_axis(mv[:, :, None, :], ti[:, None, :, :], axis=-1)  # [B, CV, HW, k]
    readout = jnp.sum(gathered * wts[:, None, :, :], axis=-1)  # [B, CV, HW]
    logits = jnp.einsum('oc,bcq->boq', W_mask, readout).reshape(B, 2, H, W)
    prob = jax.nn.sigmoid(logits)
    # aggregate_wbg: soft-aggregate object probabilities with background channel
    bg = jnp.prod(1.0 - prob, axis=1, keepdims=True)
    new_prob = jnp.clip(jnp.concatenate([bg, prob], axis=1), 1e-7, 1.0 - 1e-7)
    lg = jnp.log(new_prob / (1.0 - new_prob))
    mask = jax.nn.softmax(lg, axis=1)  # [B, 3, H, W]
    return mask

if __name__ == "__main__":
    import jax
    _d = setup_inputs()
    print(jax.jit(kernel)(*tuple(_d.values())))

</pallas_src>

<mosaic_0001>
#map = affine_map<(d0, d1) -> (0, 0)>
module attributes {stable_mosaic.version = 14 : i64} {
  func.func @k(%arg0: i32, %arg1: i32, %arg2: memref<1024x56xi32, #tpu.memory_space<hbm>>, %arg3: memref<45900x512xf32, #tpu.memory_space<hbm>>, %arg4: memref<57344x512xf32, #tpu.memory_space<hbm>>, %arg5: memref<56xi32, #tpu.memory_space<vmem>>, %arg6: memref<56x512xf32, #tpu.memory_space<vmem>>, %arg7: memref<!tpu.dma_semaphore, #tpu.memory_space<semaphore_mem>>) attributes {dimension_semantics = [#tpu.dimension_semantics<core_parallel>, #tpu.dimension_semantics<subcore_parallel>], iteration_bounds = array<i64: 2, 16>, scalar_prefetch = 0 : i64, scratch_operands = 3 : i64, tpu.core_type = #tpu.core_type<sc_vector_subcore>, window_params = [{transform_indices = #map}, {transform_indices = #map}, {transform_indices = #map}]} {
    %mul3A = arith.constant 2 : i32
    %mul3A_0 = arith.muli %arg1, %mul3A : i32
    %add3A = arith.addi %mul3A_0, %arg0 : i32
    %scan3A = arith.constant 0 : i32
    %scan3A_1 = arith.constant 0 : i32
    %scan3A_2 = arith.constant 32 : i32
    %scan3A_3 = arith.addi %scan3A_1, %scan3A_2 : i32
    %scan3A_4 = arith.constant 1 : i32
    scf.for %scan3A_6 = %scan3A_1 to %scan3A_3 step %scan3A_4  : i32 {
      %mul3A_7 = arith.constant 32 : i32
      %mul3A_8 = arith.muli %add3A, %mul3A_7 : i32
      %add3A_9 = arith.addi %mul3A_8, %scan3A_6 : i32
      "tpu.region"() ({
        %run_scoped3A = tpu.sem_alloc : memref<!tpu.dma_semaphore, #tpu.memory_space<semaphore_mem>>
        %dma_start3A_16 = arith.constant 0 : i32
        %dma_start3A_17 = tpu.memref_slice %arg2[%add3A_9, %dma_start3A_16] : memref<1024x56xi32, #tpu.memory_space<hbm>> -> memref<1x56xi32, #tpu.memory_space<hbm>>
        %dma_start3A_18 = tpu.memref_squeeze %dma_start3A_17 : memref<1x56xi32, #tpu.memory_space<hbm>> -> memref<56xi32, #tpu.memory_space<hbm>>
        %dma_start3A_19 = arith.constant 0 : i32
        %dma_start3A_20 = tpu.memref_slice %arg2[%add3A_9, %dma_start3A_19] : memref<1024x56xi32, #tpu.memory_space<hbm>> -> memref<1x56xi32, #tpu.memory_space<hbm>>
        %dma_start3A_21 = tpu.memref_squeeze %dma_start3A_20 : memref<1x56xi32, #tpu.memory_space<hbm>> -> memref<56xi32, #tpu.memory_space<hbm>>
        tpu.enqueue_dma source(%dma_start3A_21 : memref<56xi32, #tpu.memory_space<hbm>>) target(%arg5 : memref<56xi32, #tpu.memory_space<vmem>>) target_semaphore(%run_scoped3A : memref<!tpu.dma_semaphore, #tpu.memory_space<semaphore_mem>>)
        %dma_wait3A_22 = arith.constant 0 : i32
        %dma_wait3A_23 = tpu.memref_slice %arg2[%add3A_9, %dma_wait3A_22] : memref<1024x56xi32, #tpu.memory_space<hbm>> -> memref<1x56xi32, #tpu.memory_space<hbm>>
        %dma_wait3A_24 = tpu.memref_squeeze %dma_wait3A_23 : memref<1x56xi32, #tpu.memory_space<hbm>> -> memref<56xi32, #tpu.memory_space<hbm>>
        %dma_wait3A_25 = arith.constant 0 : i32
        %dma_wait3A_26 = tpu.memref_slice %arg2[%add3A_9, %dma_wait3A_25] : memref<1024x56xi32, #tpu.memory_space<hbm>> -> memref<1x56xi32, #tpu.memory_space<hbm>>
        %dma_wait3A_27 = tpu.memref_squeeze %dma_wait3A_26 : memref<1x56xi32, #tpu.memory_space<hbm>> -> memref<56xi32, #tpu.memory_space<hbm>>
        tpu.wait_dma2 semaphore(%run_scoped3A : memref<!tpu.dma_semaphore, #tpu.memory_space<semaphore_mem>>) src(%dma_wait3A_27 : memref<56xi32, #tpu.memory_space<hbm>>) dst(%arg5 : memref<56xi32, #tpu.memory_space<vmem>>)
        tpu.yield
      }) : () -> ()
      %dma_start3A = arith.constant 0 : i32
      %dma_start3A_10 = arith.constant 0 : i32
      %dma_start3A_11 = tpu.memref_slice %arg3[%dma_start3A, %dma_start3A_10] : memref<45900x512xf32, #tpu.memory_space<hbm>> -> memref<45900x512xf32, #tpu.memory_space<hbm>>
      tpu.enqueue_indirect_dma source(%dma_start3A_11 : memref<45900x512xf32, #tpu.memory_space<hbm>>) target(%arg6 : memref<56x512xf32, #tpu.memory_space<vmem>>) offsets(%arg5 : memref<56xi32, #tpu.memory_space<vmem>>) semaphore(%arg7 : memref<!tpu.dma_semaphore, #tpu.memory_space<semaphore_mem>>)
      %dma_wait3A = arith.constant 0 : i32
      %dma_wait3A_12 = arith.constant 0 : i32
      %dma_wait3A_13 = tpu.memref_slice %arg3[%dma_wait3A, %dma_wait3A_12] : memref<45900x512xf32, #tpu.memory_space<hbm>> -> memref<45900x512xf32, #tpu.memory_space<hbm>>
      tpu.wait_indirect_dma semaphore(%arg7 : memref<!tpu.dma_semaphore, #tpu.memory_space<semaphore_mem>>) src(%dma_wait3A_13 : memref<45900x512xf32, #tpu.memory_space<hbm>>) dst(%arg6 : memref<56x512xf32, #tpu.memory_space<vmem>>)
      %mul3A_14 = arith.constant 56 : i32
      %mul3A_15 = arith.muli %add3A_9, %mul3A_14 : i32
      "tpu.region"() ({
        %run_scoped3A = tpu.sem_alloc : memref<!tpu.dma_semaphore, #tpu.memory_space<semaphore_mem>>
        %dma_start3A_16 = arith.constant 0 : i32
        %dma_start3A_17 = tpu.memref_slice %arg4[%mul3A_15, %dma_start3A_16] : memref<57344x512xf32, #tpu.memory_space<hbm>> -> memref<56x512xf32, #tpu.memory_space<hbm>>
        %dma_start3A_18 = arith.constant 0 : i32
        %dma_start3A_19 = tpu.memref_slice %arg4[%mul3A_15, %dma_start3A_18] : memref<57344x512xf32, #tpu.memory_space<hbm>> -> memref<56x512xf32, #tpu.memory_space<hbm>>
        tpu.enqueue_dma source(%arg6 : memref<56x512xf32, #tpu.memory_space<vmem>>) target(%dma_start3A_19 : memref<56x512xf32, #tpu.memory_space<hbm>>) target_semaphore(%run_scoped3A : memref<!tpu.dma_semaphore, #tpu.memory_space<semaphore_mem>>)
        %dma_wait3A_20 = arith.constant 0 : i32
        %dma_wait3A_21 = tpu.memref_slice %arg4[%mul3A_15, %dma_wait3A_20] : memref<57344x512xf32, #tpu.memory_space<hbm>> -> memref<56x512xf32, #tpu.memory_space<hbm>>
        %dma_wait3A_22 = arith.constant 0 : i32
        %dma_wait3A_23 = tpu.memref_slice %arg4[%mul3A_15, %dma_wait3A_22] : memref<57344x512xf32, #tpu.memory_space<hbm>> -> memref<56x512xf32, #tpu.memory_space<hbm>>
        tpu.wait_dma2 semaphore(%run_scoped3A : memref<!tpu.dma_semaphore, #tpu.memory_space<semaphore_mem>>) src(%arg6 : memref<56x512xf32, #tpu.memory_space<vmem>>) dst(%dma_wait3A_23 : memref<56x512xf32, #tpu.memory_space<hbm>>)
        tpu.yield
      }) : () -> ()
    }
    %scan3A_5 = arith.constant 32 : i32
    return
  }
}

module attributes {stable_mosaic.version = 14 : i64} {
  func.func @_topk_body(%arg0: i32, %arg1: memref<128x64xf32, #tpu.memory_space<vmem>>, %arg2: memref<90x64x512xf32, #tpu.memory_space<vmem>>, %arg3: memref<90x1x512xi32, #tpu.memory_space<vmem>>, %arg4: memref<1x1xi32, #tpu.memory_space<smem>>, %arg5: memref<128x56xf32, #tpu.memory_space<vmem>>, %arg6: memref<128x56xi32, #tpu.memory_space<vmem>>, %arg7: memref<90x128x512xf32, #tpu.memory_space<vmem>>) attributes {dimension_semantics = [#tpu.dimension_semantics<arbitrary>], iteration_bounds = array<i64: 8>, scalar_prefetch = 0 : i64, scratch_operands = 1 : i64, tpu.core_type = #tpu.core_type<tc>, window_params = [{transform_indices = @transform_0, window_bounds = array<i64: 128, 64>}, {pipeline_mode = #tpu.pipeline_mode<synchronous>, transform_indices = @transform_1, window_bounds = array<i64: 90, 64, 512>}, {pipeline_mode = #tpu.pipeline_mode<synchronous>, transform_indices = @transform_2, window_bounds = array<i64: 90, 1, 512>}, {transform_indices = @transform_3, window_bounds = array<i64: 1, 1>}, {transform_indices = @transform_4, window_bounds = array<i64: 128, 56>}, {transform_indices = @transform_5, window_bounds = array<i64: 128, 56>}]} {
    %get3A = arith.constant 0 : index
    %get3A_0 = arith.constant 0 : index
    %get3A_1 = memref.load %arg4[%get3A, %get3A_0] : memref<1x1xi32, #tpu.memory_space<smem>>
    %mul3A = arith.constant 900 : i32
    %mul3A_2 = arith.muli %get3A_1, %mul3A : i32
    %add3A = arith.constant 512 : i32
    %add3A_3 = arith.addi %mul3A_2, %add3A : i32
    %sub3A = arith.constant 1 : i32
    %sub3A_4 = arith.subi %add3A_3, %sub3A : i32
    %jit3A = arith.constant 512 : i32
    %div3A = arith.divsi %sub3A_4, %jit3A : i32
    %sign3A = arith.constant 0 : i32
    %sign3A_5 = arith.cmpi sgt, %sub3A_4, %sign3A : i32
    %sign3A_6 = arith.extui %sign3A_5 : i1 to i32
    %sign3A_7 = arith.constant 0 : i32
    %sign3A_8 = arith.cmpi slt, %sub3A_4, %sign3A_7 : i32
    %sign3A_9 = arith.extui %sign3A_8 : i1 to i32
    %sign3A_10 = arith.subi %sign3A_6, %sign3A_9 : i32
    %sign3A_11 = arith.constant 0 : i32
    %sign3A_12 = arith.cmpi sgt, %jit3A, %sign3A_11 : i32
    %sign3A_13 = arith.extui %sign3A_12 : i1 to i32
    %sign3A_14 = arith.constant 0 : i32
    %sign3A_15 = arith.cmpi slt, %jit3A, %sign3A_14 : i32
    %sign3A_16 = arith.extui %sign3A_15 : i1 to i32
    %sign3A_17 = arith.subi %sign3A_13, %sign3A_16 : i32
    %ne3A = arith.cmpi ne, %sign3A_10, %sign3A_17 : i32
    %rem3A = arith.remsi %sub3A_4, %jit3A : i32
    %ne3A_18 = arith.constant 0 : i32
    %ne3A_19 = arith.cmpi ne, %rem3A, %ne3A_18 : i32
    %and3A = arith.andi %ne3A, %ne3A_19 : i1
    %sub3A_20 = arith.constant 1 : i32
    %sub3A_21 = arith.subi %div3A, %sub3A_20 : i32
    %select_n3A = arith.select %and3A, %sub3A_21, %div3A : i32
    %min3A = arith.constant 87 : i32
    %min3A_22 = arith.minsi %select_n3A, %min3A : i32
    %iota3A = tpu.iota {dimensions = array<i32: 1>} : vector<128x512xi32>
    %broadcast_in_dim3A = arith.constant -1.000000e+30 : f32
    %broadcast_in_dim3A_23 = vector.broadcast %broadcast_in_dim3A : f32 to vector<128x90xf32>
    %while3A = arith.constant 0 : i32
    %while3A_24 = arith.subi %min3A_22, %while3A : i32
    %while3A_25 = arith.addi %while3A, %while3A_24 : i32
    %while3A_26 = arith.constant 1 : i32
    %while3A_27 = arith.divsi %while3A_24, %while3A_26 : i32
    %while3A_28 = arith.muli %while3A_27, %while3A_26 : i32
    %while3A_29 = arith.addi %while3A, %while3A_28 : i32
    %while3A_30 = arith.constant 1 : i32
    %while3A_31 = scf.for %while3A_183 = %while3A to %while3A_29 step %while3A_30 iter_args(%while3A_184 = %broadcast_in_dim3A_23) -> (vector<128x90xf32>)  : i32 {
      %get3A_185 = arith.constant 0 : index
      %get3A_186 = arith.constant 0 : index
      %get3A_187 = vector.load %arg1[%get3A_185, %get3A_186] : memref<128x64xf32, #tpu.memory_space<vmem>>, vector<128x64xf32>
      %get3A_188 = arith.index_cast %while3A_183 : i32 to index
      %get3A_189 = arith.constant 0 : index
      %get3A_190 = arith.constant 0 : index
      %get3A_191 = vector.load %arg2[%get3A_188, %get3A_189, %get3A_190] : memref<90x64x512xf32, #tpu.memory_space<vmem>>, vector<1x64x512xf32>
      %get3A_192 = vector.shape_cast %get3A_191 : vector<1x64x512xf32> to vector<64x512xf32>
      %dot_general3A_193 = arith.constant dense<0.000000e+00> : vector<128x512xf32>
      %dot_general3A_194 = tpu.matmul %get3A_187, %get3A_192, %dot_general3A_193 {dimension_numbers = #tpu.dot_dimension_numbers<[1], [0], [0], [1], [0, 0, 1, 1], [], []>, transpose_lhs_hint = false} : vector<128x64xf32>, vector<64x512xf32>, vector<128x512xf32> -> vector<128x512xf32>
      %mul3A_195 = arith.constant 1.250000e-01 : f32
      %mul3A_196 = vector.broadcast %mul3A_195 : f32 to vector<128x512xf32>
      %mul3A_197 = arith.mulf %dot_general3A_194, %mul3A_196 : vector<128x512xf32>
      %get3A_198 = arith.index_cast %while3A_183 : i32 to index
      %get3A_199 = arith.constant 0 : index
      %get3A_200 = arith.constant 0 : index
      %get3A_201 = vector.load %arg3[%get3A_198, %get3A_199, %get3A_200] : memref<90x1x512xi32, #tpu.memory_space<vmem>>, vector<1x1x512xi32>
      %get3A_202 = vector.shape_cast %get3A_201 : vector<1x1x512xi32> to vector<1x512xi32>
      %lt3A_203 = vector.broadcast %get3A_1 : i32 to vector<1x512xi32>
      %lt3A_204 = arith.cmpi slt, %get3A_202, %lt3A_203 : vector<1x512xi32>
      %jit3A_205 = arith.constant -1.000000e+30 : f32
      %broadcast_in_dim3A_206 = vector.shape_cast %lt3A_204 : vector<1x512xi1> to vector<1x512xi1>
      %broadcast_in_dim3A_207 = vector.broadcast %broadcast_in_dim3A_206 : vector<1x512xi1> to vector<128x512xi1>
      %broadcast_in_dim3A_208 = vector.broadcast %jit3A_205 : f32 to vector<128x512xf32>
      %select_n3A_209 = arith.select %broadcast_in_dim3A_207, %mul3A_197, %broadcast_in_dim3A_208 : vector<128x512xi1>, vector<128x512xf32>
      %swap3A_210 = arith.index_cast %while3A_183 : i32 to index
      %swap3A_211 = arith.constant 0 : index
      %swap3A_212 = arith.constant 0 : index
      %swap3A_213 = vector.load %arg7[%swap3A_210, %swap3A_211, %swap3A_212] : memref<90x128x512xf32, #tpu.memory_space<vmem>>, vector<1x128x512xf32>
      %swap3A_214 = vector.shape_cast %swap3A_213 : vector<1x128x512xf32> to vector<128x512xf32>
      %swap3A_215 = vector.shape_cast %select_n3A_209 : vector<128x512xf32> to vector<1x128x512xf32>
      tpu.vector_store %arg7[%swap3A_210, %swap3A_211, %swap3A_212], %swap3A_215 {strides = array<i32>} : memref<90x128x512xf32, #tpu.memory_space<vmem>>, vector<1x128x512xf32>,
      %reduce_max3A_216 = arith.constant dense<0xFF800000> : vector<128xf32>
      %reduce_max3A_217 = vector.multi_reduction <maximumf>, %select_n3A_209, %reduce_max3A_216 [1] : vector<128x512xf32> to vector<128xf32>
      %broadcast_in_dim3A_218 = vector.shape_cast %reduce_max3A_217 : vector<128xf32> to vector<128x1xf32>
      %iota3A_219 = tpu.iota {dimensions = array<i32: 1>} : vector<128x90xi32>
      %eq3A_220 = vector.broadcast %while3A_183 : i32 to vector<128x90xi32>
      %eq3A_221 = arith.cmpi eq, %iota3A_219, %eq3A_220 : vector<128x90xi32>
      %broadcast_in_dim3A_222 = vector.shape_cast %broadcast_in_dim3A_218 : vector<128x1xf32> to vector<128x1xf32>
      %broadcast_in_dim3A_223 = vector.broadcast %broadcast_in_dim3A_222 : vector<128x1xf32> to vector<128x90xf32>
      %select_n3A_224 = arith.select %eq3A_221, %broadcast_in_dim3A_223, %while3A_184 : vector<128x90xi1>, vector<128x90xf32>
      scf.yield %select_n3A_224 : vector<128x90xf32>
    }
    %while3A_32 = arith.constant 1 : i32
    %while3A_33 = scf.for %while3A_183 = %while3A_29 to %while3A_25 step %while3A_32 iter_args(%while3A_184 = %while3A_31) -> (vector<128x90xf32>)  : i32 {
      %get3A_185 = arith.constant 0 : index
      %get3A_186 = arith.constant 0 : index
      %get3A_187 = vector.load %arg1[%get3A_185, %get3A_186] : memref<128x64xf32, #tpu.memory_space<vmem>>, vector<128x64xf32>
      %get3A_188 = arith.index_cast %while3A_183 : i32 to index
      %get3A_189 = arith.constant 0 : index
      %get3A_190 = arith.constant 0 : index
      %get3A_191 = vector.load %arg2[%get3A_188, %get3A_189, %get3A_190] : memref<90x64x512xf32, #tpu.memory_space<vmem>>, vector<1x64x512xf32>
      %get3A_192 = vector.shape_cast %get3A_191 : vector<1x64x512xf32> to vector<64x512xf32>
      %dot_general3A_193 = arith.constant dense<0.000000e+00> : vector<128x512xf32>
      %dot_general3A_194 = tpu.matmul %get3A_187, %get3A_192, %dot_general3A_193 {dimension_numbers = #tpu.dot_dimension_numbers<[1], [0], [0], [1], [0, 0, 1, 1], [], []>, transpose_lhs_hint = false} : vector<128x64xf32>, vector<64x512xf32>, vector<128x512xf32> -> vector<128x512xf32>
      %mul3A_195 = arith.constant 1.250000e-01 : f32
      %mul3A_196 = vector.broadcast %mul3A_195 : f32 to vector<128x512xf32>
      %mul3A_197 = arith.mulf %dot_general3A_194, %mul3A_196 : vector<128x512xf32>
      %get3A_198 = arith.index_cast %while3A_183 : i32 to index
      %get3A_199 = arith.constant 0 : index
      %get3A_200 = arith.constant 0 : index
      %get3A_201 = vector.load %arg3[%get3A_198, %get3A_199, %get3A_200] : memref<90x1x512xi32, #tpu.memory_space<vmem>>, vector<1x1x512xi32>
      %get3A_202 = vector.shape_cast %get3A_201 : vector<1x1x512xi32> to vector<1x512xi32>
      %lt3A_203 = vector.broadcast %get3A_1 : i32 to vector<1x512xi32>
      %lt3A_204 = arith.cmpi slt, %get3A_202, %lt3A_203 : vector<1x512xi32>
      %jit3A_205 = arith.constant -1.000000e+30 : f32
      %broadcast_in_dim3A_206 = vector.shape_cast %lt3A_204 : vector<1x512xi1> to vector<1x512xi1>
      %broadcast_in_dim3A_207 = vector.broadcast %broadcast_in_dim3A_206 : vector<1x512xi1> to vector<128x512xi1>
      %broadcast_in_dim3A_208 = vector.broadcast %jit3A_205 : f32 to vector<128x512xf32>
      %select_n3A_209 = arith.select %broadcast_in_dim3A_207, %mul3A_197, %broadcast_in_dim3A_208 : vector<128x512xi1>, vector<128x512xf32>
      %swap3A_210 = arith.index_cast %while3A_183 : i32 to index
      %swap3A_211 = arith.constant 0 : index
      %swap3A_212 = arith.constant 0 : index
      %swap3A_213 = vector.load %arg7[%swap3A_210, %swap3A_211, %swap3A_212] : memref<90x128x512xf32, #tpu.memory_space<vmem>>, vector<1x128x512xf32>
      %swap3A_214 = vector.shape_cast %swap3A_213 : vector<1x128x512xf32> to vector<128x512xf32>
      %swap3A_215 = vector.shape_cast %select_n3A_209 : vector<128x512xf32> to vector<1x128x512xf32>
      tpu.vector_store %arg7[%swap3A_210, %swap3A_211, %swap3A_212], %swap3A_215 {strides = array<i32>} : memref<90x128x512xf32, #tpu.memory_space<vmem>>, vector<1x128x512xf32>,
      %reduce_max3A_216 = arith.constant dense<0xFF800000> : vector<128xf32>
      %reduce_max3A_217 = vector.multi_reduction <maximumf>, %select_n3A_209, %reduce_max3A_216 [1] : vector<128x512xf32> to vector<128xf32>
      %broadcast_in_dim3A_218 = vector.shape_cast %reduce_max3A_217 : vector<128xf32> to vector<128x1xf32>
      %iota3A_219 = tpu.iota {dimensions = array<i32: 1>} : vector<128x90xi32>
      %eq3A_220 = vector.broadcast %while3A_183 : i32 to vector<128x90xi32>
      %eq3A_221 = arith.cmpi eq, %iota3A_219, %eq3A_220 : vector<128x90xi32>
      %broadcast_in_dim3A_222 = vector.shape_cast %broadcast_in_dim3A_218 : vector<128x1xf32> to vector<128x1xf32>
      %broadcast_in_dim3A_223 = vector.broadcast %broadcast_in_dim3A_222 : vector<128x1xf32> to vector<128x90xf32>
      %select_n3A_224 = arith.select %eq3A_221, %broadcast_in_dim3A_223, %while3A_184 : vector<128x90xi1>, vector<128x90xf32>
      scf.yield %select_n3A_224 : vector<128x90xf32>
    }
    %get3A_34 = arith.constant 0 : index
    %get3A_35 = arith.constant 0 : index
    %get3A_36 = vector.load %arg1[%get3A_34, %get3A_35] : memref<128x64xf32, #tpu.memory_space<vmem>>, vector<128x64xf32>
    %get3A_37 = arith.constant 87 : index
    %get3A_38 = arith.constant 0 : index
    %get3A_39 = arith.constant 0 : index
    %get3A_40 = vector.load %arg2[%get3A_37, %get3A_38, %get3A_39] : memref<90x64x512xf32, #tpu.memory_space<vmem>>, vector<1x64x512xf32>
    %get3A_41 = vector.shape_cast %get3A_40 : vector<1x64x512xf32> to vector<64x512xf32>
    %dot_general3A = arith.constant dense<0.000000e+00> : vector<128x512xf32>
    %dot_general3A_42 = tpu.matmul %get3A_36, %get3A_41, %dot_general3A {dimension_numbers = #tpu.dot_dimension_numbers<[1], [0], [0], [1], [0, 0, 1, 1], [], []>, transpose_lhs_hint = false} : vector<128x64xf32>, vector<64x512xf32>, vector<128x512xf32> -> vector<128x512xf32>
    %mul3A_43 = arith.constant 1.250000e-01 : f32
    %mul3A_44 = vector.broadcast %mul3A_43 : f32 to vector<128x512xf32>
    %mul3A_45 = arith.mulf %dot_general3A_42, %mul3A_44 : vector<128x512xf32>
    %get3A_46 = arith.constant 87 : index
    %get3A_47 = arith.constant 0 : index
    %get3A_48 = arith.constant 0 : index
    %get3A_49 = vector.load %arg3[%get3A_46, %get3A_47, %get3A_48] : memref<90x1x512xi32, #tpu.memory_space<vmem>>, vector<1x1x512xi32>
    %get3A_50 = vector.shape_cast %get3A_49 : vector<1x1x512xi32> to vector<1x512xi32>
    %lt3A = vector.broadcast %get3A_1 : i32 to vector<1x512xi32>
    %lt3A_51 = arith.cmpi slt, %get3A_50, %lt3A : vector<1x512xi32>
    %jit3A_52 = arith.constant -1.000000e+30 : f32
    %broadcast_in_dim3A_53 = vector.shape_cast %lt3A_51 : vector<1x512xi1> to vector<1x512xi1>
    %broadcast_in_dim3A_54 = vector.broadcast %broadcast_in_dim3A_53 : vector<1x512xi1> to vector<128x512xi1>
    %broadcast_in_dim3A_55 = vector.broadcast %jit3A_52 : f32 to vector<128x512xf32>
    %select_n3A_56 = arith.select %broadcast_in_dim3A_54, %mul3A_45, %broadcast_in_dim3A_55 : vector<128x512xi1>, vector<128x512xf32>
    %swap3A = arith.constant 87 : index
    %swap3A_57 = arith.constant 0 : index
    %swap3A_58 = arith.constant 0 : index
    %swap3A_59 = vector.load %arg7[%swap3A, %swap3A_57, %swap3A_58] : memref<90x128x512xf32, #tpu.memory_space<vmem>>, vector<1x128x512xf32>
    %swap3A_60 = vector.shape_cast %swap3A_59 : vector<1x128x512xf32> to vector<128x512xf32>
    %swap3A_61 = vector.shape_cast %select_n3A_56 : vector<128x512xf32> to vector<1x128x512xf32>
    tpu.vector_store %arg7[%swap3A, %swap3A_57, %swap3A_58], %swap3A_61 {strides = array<i32>} : memref<90x128x512xf32, #tpu.memory_space<vmem>>, vector<1x128x512xf32>,
    %reduce_max3A = arith.constant dense<0xFF800000> : vector<128xf32>
    %reduce_max3A_62 = vector.multi_reduction <maximumf>, %select_n3A_56, %reduce_max3A [1] : vector<128x512xf32> to vector<128xf32>
    %broadcast_in_dim3A_63 = vector.shape_cast %reduce_max3A_62 : vector<128xf32> to vector<128x1xf32>
    %iota3A_64 = tpu.iota {dimensions = array<i32: 1>} : vector<128x90xi32>
    %eq3A = arith.constant 87 : i32
    %eq3A_65 = vector.broadcast %eq3A : i32 to vector<128x90xi32>
    %eq3A_66 = arith.cmpi eq, %iota3A_64, %eq3A_65 : vector<128x90xi32>
    %broadcast_in_dim3A_67 = vector.shape_cast %broadcast_in_dim3A_63 : vector<128x1xf32> to vector<128x1xf32>
    %broadcast_in_dim3A_68 = vector.broadcast %broadcast_in_dim3A_67 : vector<128x1xf32> to vector<128x90xf32>
    %select_n3A_69 = arith.select %eq3A_66, %broadcast_in_dim3A_68, %while3A_33 : vector<128x90xi1>, vector<128x90xf32>
    %get3A_70 = arith.constant 0 : index
    %get3A_71 = arith.constant 0 : index
    %get3A_72 = vector.load %arg1[%get3A_70, %get3A_71] : memref<128x64xf32, #tpu.memory_space<vmem>>, vector<128x64xf32>
    %get3A_73 = arith.constant 88 : index
    %get3A_74 = arith.constant 0 : index
    %get3A_75 = arith.constant 0 : index
    %get3A_76 = vector.load %arg2[%get3A_73, %get3A_74, %get3A_75] : memref<90x64x512xf32, #tpu.memory_space<vmem>>, vector<1x64x512xf32>
    %get3A_77 = vector.shape_cast %get3A_76 : vector<1x64x512xf32> to vector<64x512xf32>
    %dot_general3A_78 = arith.constant dense<0.000000e+00> : vector<128x512xf32>
    %dot_general3A_79 = tpu.matmul %get3A_72, %get3A_77, %dot_general3A_78 {dimension_numbers = #tpu.dot_dimension_numbers<[1], [0], [0], [1], [0, 0, 1, 1], [], []>, transpose_lhs_hint = false} : vector<128x64xf32>, vector<64x512xf32>, vector<128x512xf32> -> vector<128x512xf32>
    %mul3A_80 = arith.constant 1.250000e-01 : f32
    %mul3A_81 = vector.broadcast %mul3A_80 : f32 to vector<128x512xf32>
    %mul3A_82 = arith.mulf %dot_general3A_79, %mul3A_81 : vector<128x512xf32>
    %get3A_83 = arith.constant 88 : index
    %get3A_84 = arith.constant 0 : index
    %get3A_85 = arith.constant 0 : index
    %get3A_86 = vector.load %arg3[%get3A_83, %get3A_84, %get3A_85] : memref<90x1x512xi32, #tpu.memory_space<vmem>>, vector<1x1x512xi32>
    %get3A_87 = vector.shape_cast %get3A_86 : vector<1x1x512xi32> to vector<1x512xi32>
    %lt3A_88 = vector.broadcast %get3A_1 : i32 to vector<1x512xi32>
    %lt3A_89 = arith.cmpi slt, %get3A_87, %lt3A_88 : vector<1x512xi32>
    %jit3A_90 = arith.constant -1.000000e+30 : f32
    %broadcast_in_dim3A_91 = vector.shape_cast %lt3A_89 : vector<1x512xi1> to vector<1x512xi1>
    %broadcast_in_dim3A_92 = vector.broadcast %broadcast_in_dim3A_91 : vector<1x512xi1> to vector<128x512xi1>
    %broadcast_in_dim3A_93 = vector.broadcast %jit3A_90 : f32 to vector<128x512xf32>
    %select_n3A_94 = arith.select %broadcast_in_dim3A_92, %mul3A_82, %broadcast_in_dim3A_93 : vector<128x512xi1>, vector<128x512xf32>
    %swap3A_95 = arith.constant 88 : index
    %swap3A_96 = arith.constant 0 : index
    %swap3A_97 = arith.constant 0 : index
    %swap3A_98 = vector.load %arg7[%swap3A_95, %swap3A_96, %swap3A_97] : memref<90x128x512xf32, #tpu.memory_space<vmem>>, vector<1x128x512xf32>
    %swap3A_99 = vector.shape_cast %swap3A_98 : vector<1x128x512xf32> to vector<128x512xf32>
    %swap3A_100 = vector.shape_cast %select_n3A_94 : vector<128x512xf32> to vector<1x128x512xf32>
    tpu.vector_store %arg7[%swap3A_95, %swap3A_96, %swap3A_97], %swap3A_100 {strides = array<i32>} : memref<90x128x512xf32, #tpu.memory_space<vmem>>, vector<1x128x512xf32>,
    %reduce_max3A_101 = arith.constant dense<0xFF800000> : vector<128xf32>
    %reduce_max3A_102 = vector.multi_reduction <maximumf>, %select_n3A_94, %reduce_max3A_101 [1] : vector<128x512xf32> to vector<128xf32>
    %broadcast_in_dim3A_103 = vector.shape_cast %reduce_max3A_102 : vector<128xf32> to vector<128x1xf32>
    %iota3A_104 = tpu.iota {dimensions = array<i32: 1>} : vector<128x90xi32>
    %eq3A_105 = arith.constant 88 : i32
    %eq3A_106 = vector.broadcast %eq3A_105 : i32 to vector<128x90xi32>
    %eq3A_107 = arith.cmpi eq, %iota3A_104, %eq3A_106 : vector<128x90xi32>
    %broadcast_in_dim3A_108 = vector.shape_cast %broadcast_in_dim3A_103 : vector<128x1xf32> to vector<128x1xf32>
    %broadcast_in_dim3A_109 = vector.broadcast %broadcast_in_dim3A_108 : vector<128x1xf32> to vector<128x90xf32>
    %select_n3A_110 = arith.select %eq3A_107, %broadcast_in_dim3A_109, %select_n3A_69 : vector<128x90xi1>, vector<128x90xf32>
    %get3A_111 = arith.constant 0 : index
    %get3A_112 = arith.constant 0 : index
    %get3A_113 = vector.load %arg1[%get3A_111, %get3A_112] : memref<128x64xf32, #tpu.memory_space<vmem>>, vector<128x64xf32>
    %get3A_114 = arith.constant 89 : index
    %get3A_115 = arith.constant 0 : index
    %get3A_116 = arith.constant 0 : index
    %get3A_117 = vector.load %arg2[%get3A_114, %get3A_115, %get3A_116] : memref<90x64x512xf32, #tpu.memory_space<vmem>>, vector<1x64x512xf32>
    %get3A_118 = vector.shape_cast %get3A_117 : vector<1x64x512xf32> to vector<64x512xf32>
    %dot_general3A_119 = arith.constant dense<0.000000e+00> : vector<128x512xf32>
    %dot_general3A_120 = tpu.matmul %get3A_113, %get3A_118, %dot_general3A_119 {dimension_numbers = #tpu.dot_dimension_numbers<[1], [0], [0], [1], [0, 0, 1, 1], [], []>, transpose_lhs_hint = false} : vector<128x64xf32>, vector<64x512xf32>, vector<128x512xf32> -> vector<128x512xf32>
    %mul3A_121 = arith.constant 1.250000e-01 : f32
    %mul3A_122 = vector.broadcast %mul3A_121 : f32 to vector<128x512xf32>
    %mul3A_123 = arith.mulf %dot_general3A_120, %mul3A_122 : vector<128x512xf32>
    %get3A_124 = arith.constant 89 : index
    %get3A_125 = arith.constant 0 : index
    %get3A_126 = arith.constant 0 : index
    %get3A_127 = vector.load %arg3[%get3A_124, %get3A_125, %get3A_126] : memref<90x1x512xi32, #tpu.memory_space<vmem>>, vector<1x1x512xi32>
    %get3A_128 = vector.shape_cast %get3A_127 : vector<1x1x512xi32> to vector<1x512xi32>
    %lt3A_129 = vector.broadcast %get3A_1 : i32 to vector<1x512xi32>
    %lt3A_130 = arith.cmpi slt, %get3A_128, %lt3A_129 : vector<1x512xi32>
    %jit3A_131 = arith.constant -1.000000e+30 : f32
    %broadcast_in_dim3A_132 = vector.shape_cast %lt3A_130 : vector<1x512xi1> to vector<1x512xi1>
    %broadcast_in_dim3A_133 = vector.broadcast %broadcast_in_dim3A_132 : vector<1x512xi1> to vector<128x512xi1>
    %broadcast_in_dim3A_134 = vector.broadcast %jit3A_131 : f32 to vector<128x512xf32>
    %select_n3A_135 = arith.select %broadcast_in_dim3A_133, %mul3A_123, %broadcast_in_dim3A_134 : vector<128x512xi1>, vector<128x512xf32>
    %swap3A_136 = arith.constant 89 : index
    %swap3A_137 = arith.constant 0 : index
    %swap3A_138 = arith.constant 0 : index
    %swap3A_139 = vector.load %arg7[%swap3A_136, %swap3A_137, %swap3A_138] : memref<90x128x512xf32, #tpu.memory_space<vmem>>, vector<1x128x512xf32>
    %swap3A_140 = vector.shape_cast %swap3A_139 : vector<1x128x512xf32> to vector<128x512xf32>
    %swap3A_141 = vector.shape_cast %select_n3A_135 : vector<128x512xf32> to vector<1x128x512xf32>
    tpu.vector_store %arg7[%swap3A_136, %swap3A_137, %swap3A_138], %swap3A_141 {strides = array<i32>} : memref<90x128x512xf32, #tpu.memory_space<vmem>>, vector<1x128x512xf32>,
    %reduce_max3A_142 = arith.constant dense<0xFF800000> : vector<128xf32>
    %reduce_max3A_143 = vector.multi_reduction <maximumf>, %select_n3A_135, %reduce_max3A_142 [1] : vector<128x512xf32> to vector<128xf32>
    %broadcast_in_dim3A_144 = vector.shape_cast %reduce_max3A_143 : vector<128xf32> to vector<128x1xf32>
    %iota3A_145 = tpu.iota {dimensions = array<i32: 1>} : vector<128x90xi32>
    %eq3A_146 = arith.constant 89 : i32
    %eq3A_147 = vector.broadcast %eq3A_146 : i32 to vector<128x90xi32>
    %eq3A_148 = arith.cmpi eq, %iota3A_145, %eq3A_147 : vector<128x90xi32>
    %broadcast_in_dim3A_149 = vector.shape_cast %broadcast_in_dim3A_144 : vector<128x1xf32> to vector<128x1xf32>
    %broadcast_in_dim3A_150 = vector.broadcast %broadcast_in_dim3A_149 : vector<128x1xf32> to vector<128x90xf32>
    %select_n3A_151 = arith.select %eq3A_148, %broadcast_in_dim3A_150, %select_n3A_110 : vector<128x90xi1>, vector<128x90xf32>
    %iota3A_152 = tpu.iota {dimensions = array<i32: 1>} : vector<128x56xi32>
    %broadcast_in_dim3A_153 = arith.constant -1.000000e+30 : f32
    %broadcast_in_dim3A_154 = vector.broadcast %broadcast_in_dim3A_153 : f32 to vector<128x56xf32>
    %broadcast_in_dim3A_155 = arith.constant 0 : i32
    %broadcast_in_dim3A_156 = vector.broadcast %broadcast_in_dim3A_155 : i32 to vector<128x56xi32>
    %scan3A = arith.constant 0 : i32
    %scan3A_157 = arith.constant 50 : i32
    %scan3A_158 = arith.addi %scan3A, %scan3A_157 : i32
    %scan3A_159 = arith.constant 1 : i32
    %scan3A_160:3 = scf.for %scan3A_183 = %scan3A to %scan3A_158 step %scan3A_159 iter_args(%scan3A_184 = %select_n3A_151, %scan3A_185 = %broadcast_in_dim3A_154, %scan3A_186 = %broadcast_in_dim3A_156) -> (vector<128x90xf32>, vector<128x56xf32>, vector<128x56xi32>)  : i32 {
      %reduce_max3A_187 = arith.constant dense<0xFF800000> : vector<128xf32>
      %reduce_max3A_188 = vector.multi_reduction <maximumf>, %scan3A_184, %reduce_max3A_187 [1] : vector<128x90xf32> to vector<128xf32>
      %broadcast_in_dim3A_189 = vector.shape_cast %reduce_max3A_188 : vector<128xf32> to vector<128x1xf32>
      %broadcast_in_dim3A_190 = arith.constant 1073741824 : i32
      %broadcast_in_dim3A_191 = vector.broadcast %broadcast_in_dim3A_190 : i32 to vector<128x1xi32>
      %while3A_192 = arith.constant 0 : i32
      %while3A_193 = arith.subi %min3A_22, %while3A_192 : i32
      %while3A_194 = arith.addi %while3A_192, %while3A_193 : i32
      %while3A_195 = arith.constant 1 : i32
      %while3A_196 = arith.divsi %while3A_193, %while3A_195 : i32
      %while3A_197 = arith.muli %while3A_196, %while3A_195 : i32
      %while3A_198 = arith.addi %while3A_192, %while3A_197 : i32
      %while3A_199 = arith.constant 1 : i32
      %while3A_200:2 = scf.for %while3A_317 = %while3A_192 to %while3A_198 step %while3A_199 iter_args(%while3A_318 = %broadcast_in_dim3A_191, %while3A_319 = %scan3A_184) -> (vector<128x1xi32>, vector<128x90xf32>)  : i32 {
        %get3A_320 = arith.index_cast %while3A_317 : i32 to index
        %get3A_321 = arith.constant 0 : index
        %get3A_322 = arith.constant 0 : index
        %get3A_323 = vector.load %arg7[%get3A_320, %get3A_321, %get3A_322] : memref<90x128x512xf32, #tpu.memory_space<vmem>>, vector<1x128x512xf32>
        %get3A_324 = vector.shape_cast %get3A_323 : vector<1x128x512xf32> to vector<128x512xf32>
        %ge3A_325 = vector.broadcast %broadcast_in_dim3A_189 : vector<128x1xf32> to vector<128x512xf32>
        %ge3A_326 = arith.cmpf oge, %get3A_324, %ge3A_325 : vector<128x512xf32>
        %jit3A_327 = arith.constant 1073741824 : i32
        %broadcast_in_dim3A_328 = vector.broadcast %jit3A_327 : i32 to vector<128x512xi32>
        %select_n3A_329 = arith.select %ge3A_326, %iota3A, %broadcast_in_dim3A_328 : vector<128x512xi1>, vector<128x512xi32>
        %reduce_min3A_330 = arith.constant dense<2147483647> : vector<128xi32>
        %reduce_min3A_331 = vector.multi_reduction <minsi>, %select_n3A_329, %reduce_min3A_330 [1] : vector<128x512xi32> to vector<128xi32>
        %broadcast_in_dim3A_332 = vector.shape_cast %reduce_min3A_331 : vector<128xi32> to vector<128x1xi32>
        %jit3A_333 = arith.constant -1.000000e+30 : f32
        %broadcast_in_dim3A_334 = vector.broadcast %jit3A_333 : f32 to vector<128x512xf32>
        %select_n3A_335 = arith.select %ge3A_326, %broadcast_in_dim3A_334, %get3A_324 : vector<128x512xi1>, vector<128x512xf32>
        %swap3A_336 = arith.index_cast %while3A_317 : i32 to index
        %swap3A_337 = arith.constant 0 : index
        %swap3A_338 = arith.constant 0 : index
        %swap3A_339 = vector.load %arg7[%swap3A_336, %swap3A_337, %swap3A_338] : memref<90x128x512xf32, #tpu.memory_space<vmem>>, vector<1x128x512xf32>
        %swap3A_340 = vector.shape_cast %swap3A_339 : vector<1x128x512xf32> to vector<128x512xf32>
        %swap3A_341 = vector.shape_cast %select_n3A_335 : vector<128x512xf32> to vector<1x128x512xf32>
        tpu.vector_store %arg7[%swap3A_336, %swap3A_337, %swap3A_338], %swap3A_341 {strides = array<i32>} : memref<90x128x512xf32, #tpu.memory_space<vmem>>, vector<1x128x512xf32>,
        %reduce_max3A_342 = arith.constant dense<0xFF800000> : vector<128xf32>
        %reduce_max3A_343 = vector.multi_reduction <maximumf>, %select_n3A_335, %reduce_max3A_342 [1] : vector<128x512xf32> to vector<128xf32>
        %broadcast_in_dim3A_344 = vector.shape_cast %reduce_max3A_343 : vector<128xf32> to vector<128x1xf32>
        %iota3A_345 = tpu.iota {dimensions = array<i32: 1>} : vector<128x90xi32>
        %eq3A_346 = vector.broadcast %while3A_317 : i32 to vector<128x90xi32>
        %eq3A_347 = arith.cmpi eq, %iota3A_345, %eq3A_346 : vector<128x90xi32>
        %broadcast_in_dim3A_348 = vector.shape_cast %broadcast_in_dim3A_344 : vector<128x1xf32> to vector<128x1xf32>
        %broadcast_in_dim3A_349 = vector.broadcast %broadcast_in_dim3A_348 : vector<128x1xf32> to vector<128x90xf32>
        %select_n3A_350 = arith.select %eq3A_347, %broadcast_in_dim3A_349, %while3A_319 : vector<128x90xi1>, vector<128x90xf32>
        %mul3A_351 = arith.constant 512 : i32
        %mul3A_352 = arith.muli %while3A_317, %mul3A_351 : i32
        %add3A_353 = vector.broadcast %mul3A_352 : i32 to vector<128x1xi32>
        %add3A_354 = arith.addi %broadcast_in_dim3A_332, %add3A_353 : vector<128x1xi32>
        %min3A_355 = arith.minsi %while3A_318, %add3A_354 : vector<128x1xi32>
        scf.yield %min3A_355, %select_n3A_350 : vector<128x1xi32>, vector<128x90xf32>
      }
      %while3A_201 = arith.constant 1 : i32
      %while3A_202:2 = scf.for %while3A_317 = %while3A_198 to %while3A_194 step %while3A_201 iter_args(%while3A_318 = %while3A_200#0, %while3A_319 = %while3A_200#1) -> (vector<128x1xi32>, vector<128x90xf32>)  : i32 {
        %get3A_320 = arith.index_cast %while3A_317 : i32 to index
        %get3A_321 = arith.constant 0 : index
        %get3A_322 = arith.constant 0 : index
        %get3A_323 = vector.load %arg7[%get3A_320, %get3A_321, %get3A_322] : memref<90x128x512xf32, #tpu.memory_space<vmem>>, vector<1x128x512xf32>
        %get3A_324 = vector.shape_cast %get3A_323 : vector<1x128x512xf32> to vector<128x512xf32>
        %ge3A_325 = vector.broadcast %broadcast_in_dim3A_189 : vector<128x1xf32> to vector<128x512xf32>
        %ge3A_326 = arith.cmpf oge, %get3A_324, %ge3A_325 : vector<128x512xf32>
        %jit3A_327 = arith.constant 1073741824 : i32
        %broadcast_in_dim3A_328 = vector.broadcast %jit3A_327 : i32 to vector<128x512xi32>
        %select_n3A_329 = arith.select %ge3A_326, %iota3A, %broadcast_in_dim3A_328 : vector<128x512xi1>, vector<128x512xi32>
        %reduce_min3A_330 = arith.constant dense<2147483647> : vector<128xi32>
        %reduce_min3A_331 = vector.multi_reduction <minsi>, %select_n3A_329, %reduce_min3A_330 [1] : vector<128x512xi32> to vector<128xi32>
        %broadcast_in_dim3A_332 = vector.shape_cast %reduce_min3A_331 : vector<128xi32> to vector<128x1xi32>
        %jit3A_333 = arith.constant -1.000000e+30 : f32
        %broadcast_in_dim3A_334 = vector.broadcast %jit3A_333 : f32 to vector<128x512xf32>
        %select_n3A_335 = arith.select %ge3A_326, %broadcast_in_dim3A_334, %get3A_324 : vector<128x512xi1>, vector<128x512xf32>
        %swap3A_336 = arith.index_cast %while3A_317 : i32 to index
        %swap3A_337 = arith.constant 0 : index
        %swap3A_338 = arith.constant 0 : index
        %swap3A_339 = vector.load %arg7[%swap3A_336, %swap3A_337, %swap3A_338] : memref<90x128x512xf32, #tpu.memory_space<vmem>>, vector<1x128x512xf32>
        %swap3A_340 = vector.shape_cast %swap3A_339 : vector<1x128x512xf32> to vector<128x512xf32>
        %swap3A_341 = vector.shape_cast %select_n3A_335 : vector<128x512xf32> to vector<1x128x512xf32>
        tpu.vector_store %arg7[%swap3A_336, %swap3A_337, %swap3A_338], %swap3A_341 {strides = array<i32>} : memref<90x128x512xf32, #tpu.memory_space<vmem>>, vector<1x128x512xf32>,
        %reduce_max3A_342 = arith.constant dense<0xFF800000> : vector<128xf32>
        %reduce_max3A_343 = vector.multi_reduction <maximumf>, %select_n3A_335, %reduce_max3A_342 [1] : vector<128x512xf32> to vector<128xf32>
        %broadcast_in_dim3A_344 = vector.shape_cast %reduce_max3A_343 : vector<128xf32> to vector<128x1xf32>
        %iota3A_345 = tpu.iota {dimensions = array<i32: 1>} : vector<128x90xi32>
        %eq3A_346 = vector.broadcast %while3A_317 : i32 to vector<128x90xi32>
        %eq3A_347 = arith.cmpi eq, %iota3A_345, %eq3A_346 : vector<128x90xi32>
        %broadcast_in_dim3A_348 = vector.shape_cast %broadcast_in_dim3A_344 : vector<128x1xf32> to vector<128x1xf32>
        %broadcast_in_dim3A_349 = vector.broadcast %broadcast_in_dim3A_348 : vector<128x1xf32> to vector<128x90xf32>
        %select_n3A_350 = arith.select %eq3A_347, %broadcast_in_dim3A_349, %while3A_319 : vector<128x90xi1>, vector<128x90xf32>
        %mul3A_351 = arith.constant 512 : i32
        %mul3A_352 = arith.muli %while3A_317, %mul3A_351 : i32
        %add3A_353 = vector.broadcast %mul3A_352 : i32 to vector<128x1xi32>
        %add3A_354 = arith.addi %broadcast_in_dim3A_332, %add3A_353 : vector<128x1xi32>
        %min3A_355 = arith.minsi %while3A_318, %add3A_354 : vector<128x1xi32>
        scf.yield %min3A_355, %select_n3A_350 : vector<128x1xi32>, vector<128x90xf32>
      }
      %get3A_203 = arith.constant 87 : index
      %get3A_204 = arith.constant 0 : index
      %get3A_205 = arith.constant 0 : index
      %get3A_206 = vector.load %arg7[%get3A_203, %get3A_204, %get3A_205] : memref<90x128x512xf32, #tpu.memory_space<vmem>>, vector<1x128x512xf32>
      %get3A_207 = vector.shape_cast %get3A_206 : vector<1x128x512xf32> to vector<128x512xf32>
      %ge3A = vector.broadcast %broadcast_in_dim3A_189 : vector<128x1xf32> to vector<128x512xf32>
      %ge3A_208 = arith.cmpf oge, %get3A_207, %ge3A : vector<128x512xf32>
      %jit3A_209 = arith.constant 1073741824 : i32
      %broadcast_in_dim3A_210 = vector.broadcast %jit3A_209 : i32 to vector<128x512xi32>
      %select_n3A_211 = arith.select %ge3A_208, %iota3A, %broadcast_in_dim3A_210 : vector<128x512xi1>, vector<128x512xi32>
      %reduce_min3A = arith.constant dense<2147483647> : vector<128xi32>
      %reduce_min3A_212 = vector.multi_reduction <minsi>, %select_n3A_211, %reduce_min3A [1] : vector<128x512xi32> to vector<128xi32>
      %broadcast_in_dim3A_213 = vector.shape_cast %reduce_min3A_212 : vector<128xi32> to vector<128x1xi32>
      %jit3A_214 = arith.constant -1.000000e+30 : f32
      %broadcast_in_dim3A_215 = vector.broadcast %jit3A_214 : f32 to vector<128x512xf32>
      %select_n3A_216 = arith.select %ge3A_208, %broadcast_in_dim3A_215, %get3A_207 : vector<128x512xi1>, vector<128x512xf32>
      %swap3A_217 = arith.constant 87 : index
      %swap3A_218 = arith.constant 0 : index
      %swap3A_219 = arith.constant 0 : index
      %swap3A_220 = vector.load %arg7[%swap3A_217, %swap3A_218, %swap3A_219] : memref<90x128x512xf32, #tpu.memory_space<vmem>>, vector<1x128x512xf32>
      %swap3A_221 = vector.shape_cast %swap3A_220 : vector<1x128x512xf32> to vector<128x512xf32>
      %swap3A_222 = vector.shape_cast %select_n3A_216 : vector<128x512xf32> to vector<1x128x512xf32>
      tpu.vector_store %arg7[%swap3A_217, %swap3A_218, %swap3A_219], %swap3A_222 {strides = array<i32>} : memref<90x128x512xf32, #tpu.memory_space<vmem>>, vector<1x128x512xf32>,
      %reduce_max3A_223 = arith.constant dense<0xFF800000> : vector<128xf32>
      %reduce_max3A_224 = vector.multi_reduction <maximumf>, %select_n3A_216, %reduce_max3A_223 [1] : vector<128x512xf32> to vector<128xf32>
      %broadcast_in_dim3A_225 = vector.shape_cast %reduce_max3A_224 : vector<128xf32> to vector<128x1xf32>
      %iota3A_226 = tpu.iota {dimensions = array<i32: 1>} : vector<128x90xi32>
      %eq3A_227 = arith.constant 87 : i32
      %eq3A_228 = vector.broadcast %eq3A_227 : i32 to vector<128x90xi32>
      %eq3A_229 = arith.cmpi eq, %iota3A_226, %eq3A_228 : vector<128x90xi32>
      %broadcast_in_dim3A_230 = vector.shape_cast %broadcast_in_dim3A_225 : vector<128x1xf32> to vector<128x1xf32>
      %broadcast_in_dim3A_231 = vector.broadcast %broadcast_in_dim3A_230 : vector<128x1xf32> to vector<128x90xf32>
      %select_n3A_232 = arith.select %eq3A_229, %broadcast_in_dim3A_231, %while3A_202#1 : vector<128x90xi1>, vector<128x90xf32>
      %add3A_233 = arith.constant 44544 : i32
      %add3A_234 = vector.broadcast %add3A_233 : i32 to vector<128x1xi32>
      %add3A_235 = arith.addi %broadcast_in_dim3A_213, %add3A_234 : vector<128x1xi32>
      %min3A_236 = arith.minsi %while3A_202#0, %add3A_235 : vector<128x1xi32>
      %get3A_237 = arith.constant 88 : index
      %get3A_238 = arith.constant 0 : index
      %get3A_239 = arith.constant 0 : index
      %get3A_240 = vector.load %arg7[%get3A_237, %get3A_238, %get3A_239] : memref<90x128x512xf32, #tpu.memory_space<vmem>>, vector<1x128x512xf32>
      %get3A_241 = vector.shape_cast %get3A_240 : vector<1x128x512xf32> to vector<128x512xf32>
      %ge3A_242 = vector.broadcast %broadcast_in_dim3A_189 : vector<128x1xf32> to vector<128x512xf32>
      %ge3A_243 = arith.cmpf oge, %get3A_241, %ge3A_242 : vector<128x512xf32>
      %jit3A_244 = arith.constant 1073741824 : i32
      %broadcast_in_dim3A_245 = vector.broadcast %jit3A_244 : i32 to vector<128x512xi32>
      %select_n3A_246 = arith.select %ge3A_243, %iota3A, %broadcast_in_dim3A_245 : vector<128x512xi1>, vector<128x512xi32>
      %reduce_min3A_247 = arith.constant dense<2147483647> : vector<128xi32>
      %reduce_min3A_248 = vector.multi_reduction <minsi>, %select_n3A_246, %reduce_min3A_247 [1] : vector<128x512xi32> to vector<128xi32>
      %broadcast_in_dim3A_249 = vector.shape_cast %reduce_min3A_248 : vector<128xi32> to vector<128x1xi32>
      %jit3A_250 = arith.constant -1.000000e+30 : f32
      %broadcast_in_dim3A_251 = vector.broadcast %jit3A_250 : f32 to vector<128x512xf32>
      %select_n3A_252 = arith.select %ge3A_243, %broadcast_in_dim3A_251, %get3A_241 : vector<128x512xi1>, vector<128x512xf32>
      %swap3A_253 = arith.constant 88 : index
      %swap3A_254 = arith.constant 0 : index
      %swap3A_255 = arith.constant 0 : index
      %swap3A_256 = vector.load %arg7[%swap3A_253, %swap3A_254, %swap3A_255] : memref<90x128x512xf32, #tpu.memory_space<vmem>>, vector<1x128x512xf32>
      %swap3A_257 = vector.shape_cast %swap3A_256 : vector<1x128x512xf32> to vector<128x512xf32>
      %swap3A_258 = vector.shape_cast %select_n3A_252 : vector<128x512xf32> to vector<1x128x512xf32>
      tpu.vector_store %arg7[%swap3A_253, %swap3A_254, %swap3A_255], %swap3A_258 {strides = array<i32>} : memref<90x128x512xf32, #tpu.memory_space<vmem>>, vector<1x128x512xf32>,
      %reduce_max3A_259 = arith.constant dense<0xFF800000> : vector<128xf32>
      %reduce_max3A_260 = vector.multi_reduction <maximumf>, %select_n3A_252, %reduce_max3A_259 [1] : vector<128x512xf32> to vector<128xf32>
      %broadcast_in_dim3A_261 = vector.shape_cast %reduce_max3A_260 : vector<128xf32> to vector<128x1xf32>
      %iota3A_262 = tpu.iota {dimensions = array<i32: 1>} : vector<128x90xi32>
      %eq3A_263 = arith.constant 88 : i32
      %eq3A_264 = vector.broadcast %eq3A_263 : i32 to vector<128x90xi32>
      %eq3A_265 = arith.cmpi eq, %iota3A_262, %eq3A_264 : vector<128x90xi32>
      %broadcast_in_dim3A_266 = vector.shape_cast %broadcast_in_dim3A_261 : vector<128x1xf32> to vector<128x1xf32>
      %broadcast_in_dim3A_267 = vector.broadcast %broadcast_in_dim3A_266 : vector<128x1xf32> to vector<128x90xf32>
      %select_n3A_268 = arith.select %eq3A_265, %broadcast_in_dim3A_267, %select_n3A_232 : vector<128x90xi1>, vector<128x90xf32>
      %add3A_269 = arith.constant 45056 : i32
      %add3A_270 = vector.broadcast %add3A_269 : i32 to vector<128x1xi32>
      %add3A_271 = arith.addi %broadcast_in_dim3A_249, %add3A_270 : vector<128x1xi32>
      %min3A_272 = arith.minsi %min3A_236, %add3A_271 : vector<128x1xi32>
      %get3A_273 = arith.constant 89 : index
      %get3A_274 = arith.constant 0 : index
      %get3A_275 = arith.constant 0 : index
      %get3A_276 = vector.load %arg7[%get3A_273, %get3A_274, %get3A_275] : memref<90x128x512xf32, #tpu.memory_space<vmem>>, vector<1x128x512xf32>
      %get3A_277 = vector.shape_cast %get3A_276 : vector<1x128x512xf32> to vector<128x512xf32>
      %ge3A_278 = vector.broadcast %broadcast_in_dim3A_189 : vector<128x1xf32> to vector<128x512xf32>
      %ge3A_279 = arith.cmpf oge, %get3A_277, %ge3A_278 : vector<128x512xf32>
      %jit3A_280 = arith.constant 1073741824 : i32
      %broadcast_in_dim3A_281 = vector.broadcast %jit3A_280 : i32 to vector<128x512xi32>
      %select_n3A_282 = arith.select %ge3A_279, %iota3A, %broadcast_in_dim3A_281 : vector<128x512xi1>, vector<128x512xi32>
      %reduce_min3A_283 = arith.constant dense<2147483647> : vector<128xi32>
      %reduce_min3A_284 = vector.multi_reduction <minsi>, %select_n3A_282, %reduce_min3A_283 [1] : vector<128x512xi32> to vector<128xi32>
      %broadcast_in_dim3A_285 = vector.shape_cast %reduce_min3A_284 : vector<128xi32> to vector<128x1xi32>
      %jit3A_286 = arith.constant -1.000000e+30 : f32
      %broadcast_in_dim3A_287 = vector.broadcast %jit3A_286 : f32 to vector<128x512xf32>
      %select_n3A_288 = arith.select %ge3A_279, %broadcast_in_dim3A_287, %get3A_277 : vector<128x512xi1>, vector<128x512xf32>
      %swap3A_289 = arith.constant 89 : index
      %swap3A_290 = arith.constant 0 : index
      %swap3A_291 = arith.constant 0 : index
      %swap3A_292 = vector.load %arg7[%swap3A_289, %swap3A_290, %swap3A_291] : memref<90x128x512xf32, #tpu.memory_space<vmem>>, vector<1x128x512xf32>
      %swap3A_293 = vector.shape_cast %swap3A_292 : vector<1x128x512xf32> to vector<128x512xf32>
      %swap3A_294 = vector.shape_cast %select_n3A_288 : vector<128x512xf32> to vector<1x128x512xf32>
      tpu.vector_store %arg7[%swap3A_289, %swap3A_290, %swap3A_291], %swap3A_294 {strides = array<i32>} : memref<90x128x512xf32, #tpu.memory_space<vmem>>, vector<1x128x512xf32>,
      %reduce_max3A_295 = arith.constant dense<0xFF800000> : vector<128xf32>
      %reduce_max3A_296 = vector.multi_reduction <maximumf>, %select_n3A_288, %reduce_max3A_295 [1] : vector<128x512xf32> to vector<128xf32>
      %broadcast_in_dim3A_297 = vector.shape_cast %reduce_max3A_296 : vector<128xf32> to vector<128x1xf32>
      %iota3A_298 = tpu.iota {dimensions = array<i32: 1>} : vector<128x90xi32>
      %eq3A_299 = arith.constant 89 : i32
      %eq3A_300 = vector.broadcast %eq3A_299 : i32 to vector<128x90xi32>
      %eq3A_301 = arith.cmpi eq, %iota3A_298, %eq3A_300 : vector<128x90xi32>
      %broadcast_in_dim3A_302 = vector.shape_cast %broadcast_in_dim3A_297 : vector<128x1xf32> to vector<128x1xf32>
      %broadcast_in_dim3A_303 = vector.broadcast %broadcast_in_dim3A_302 : vector<128x1xf32> to vector<128x90xf32>
      %select_n3A_304 = arith.select %eq3A_301, %broadcast_in_dim3A_303, %select_n3A_268 : vector<128x90xi1>, vector<128x90xf32>
      %add3A_305 = arith.constant 45568 : i32
      %add3A_306 = vector.broadcast %add3A_305 : i32 to vector<128x1xi32>
      %add3A_307 = arith.addi %broadcast_in_dim3A_285, %add3A_306 : vector<128x1xi32>
      %min3A_308 = arith.minsi %min3A_272, %add3A_307 : vector<128x1xi32>
      %eq3A_309 = vector.broadcast %scan3A_183 : i32 to vector<128x56xi32>
      %eq3A_310 = arith.cmpi eq, %iota3A_152, %eq3A_309 : vector<128x56xi32>
      %broadcast_in_dim3A_311 = vector.shape_cast %broadcast_in_dim3A_189 : vector<128x1xf32> to vector<128x1xf32>
      %broadcast_in_dim3A_312 = vector.broadcast %broadcast_in_dim3A_311 : vector<128x1xf32> to vector<128x56xf32>
      %select_n3A_313 = arith.select %eq3A_310, %broadcast_in_dim3A_312, %scan3A_185 : vector<128x56xi1>, vector<128x56xf32>
      %broadcast_in_dim3A_314 = vector.shape_cast %min3A_308 : vector<128x1xi32> to vector<128x1xi32>
      %broadcast_in_dim3A_315 = vector.broadcast %broadcast_in_dim3A_314 : vector<128x1xi32> to vector<128x56xi32>
      %select_n3A_316 = arith.select %eq3A_310, %broadcast_in_dim3A_315, %scan3A_186 : vector<128x56xi1>, vector<128x56xi32>
      scf.yield %select_n3A_304, %select_n3A_313, %select_n3A_316 : vector<128x90xf32>, vector<128x56xf32>, vector<128x56xi32>
    }
    %scan3A_161 = arith.constant 50 : i32
    %lt3A_162 = arith.constant 50 : i32
    %lt3A_163 = vector.broadcast %lt3A_162 : i32 to vector<128x56xi32>
    %lt3A_164 = arith.cmpi slt, %iota3A_152, %lt3A_163 : vector<128x56xi32>
    %reduce_max3A_165 = arith.constant dense<0xFF800000> : vector<128xf32>
    %reduce_max3A_166 = vector.multi_reduction <maximumf>, %scan3A_160#1, %reduce_max3A_165 [1] : vector<128x56xf32> to vector<128xf32>
    %broadcast_in_dim3A_167 = vector.shape_cast %reduce_max3A_166 : vector<128xf32> to vector<128x1xf32>
    %sub3A_168 = vector.broadcast %broadcast_in_dim3A_167 : vector<128x1xf32> to vector<128x56xf32>
    %sub3A_169 = arith.subf %scan3A_160#1, %sub3A_168 : vector<128x56xf32>
    %exp3A = math.exp %sub3A_169 : vector<128x56xf32>
    %jit3A_170 = arith.constant 0.000000e+00 : f32
    %broadcast_in_dim3A_171 = vector.broadcast %jit3A_170 : f32 to vector<128x56xf32>
    %select_n3A_172 = arith.select %lt3A_164, %exp3A, %broadcast_in_dim3A_171 : vector<128x56xi1>, vector<128x56xf32>
    %reduce_sum3A = arith.constant dense<0.000000e+00> : vector<128xf32>
    %reduce_sum3A_173 = vector.multi_reduction <add>, %select_n3A_172, %reduce_sum3A [1] : vector<128x56xf32> to vector<128xf32>
    %broadcast_in_dim3A_174 = vector.shape_cast %reduce_sum3A_173 : vector<128xf32> to vector<128x1xf32>
    %div3A_175 = vector.broadcast %broadcast_in_dim3A_174 : vector<128x1xf32> to vector<128x56xf32>
    %div3A_176 = arith.divf %select_n3A_172, %div3A_175 : vector<128x56xf32>
    %swap3A_177 = arith.constant 0 : index
    %swap3A_178 = arith.constant 0 : index
    %swap3A_179 = vector.load %arg5[%swap3A_177, %swap3A_178] : memref<128x56xf32, #tpu.memory_space<vmem>>, vector<128x56xf32>
    tpu.vector_store %arg5[%swap3A_177, %swap3A_178], %div3A_176 {strides = array<i32>} : memref<128x56xf32, #tpu.memory_space<vmem>>, vector<128x56xf32>,
    %swap3A_180 = arith.constant 0 : index
    %swap3A_181 = arith.constant 0 : index
    %swap3A_182 = vector.load %arg6[%swap3A_180, %swap3A_181] : memref<128x56xi32, #tpu.memory_space<vmem>>, vector<128x56xi32>
    tpu.vector_store %arg6[%swap3A_180, %swap3A_181], %scan3A_160#2 {strides = array<i32>} : memref<128x56xi32, #tpu.memory_space<vmem>>, vector<128x56xi32>,
    return
  }
  func.func @transform_0(%arg0: i32) -> (i32, i32) {
    %c0_i32 = arith.constant 0 : i32
    %c0_i32_0 = arith.constant 0 : i32
    return %arg0, %c0_i32 : i32, i32
  }
  func.func @transform_1(%arg0: i32) -> (i32, i32, i32) {
    %c0_i32 = arith.constant 0 : i32
    %c0_i32_0 = arith.constant 0 : i32
    %c0_i32_1 = arith.constant 0 : i32
    %c0_i32_2 = arith.constant 0 : i32
    return %c0_i32, %c0_i32_0, %c0_i32_1 : i32, i32, i32
  }
  func.func @transform_2(%arg0: i32) -> (i32, i32, i32) {
    %c0_i32 = arith.constant 0 : i32
    %c0_i32_0 = arith.constant 0 : i32
    %c0_i32_1 = arith.constant 0 : i32
    %c0_i32_2 = arith.constant 0 : i32
    return %c0_i32, %c0_i32_0, %c0_i32_1 : i32, i32, i32
  }
  func.func @transform_3(%arg0: i32) -> (i32, i32) {
    %c0_i32 = arith.constant 0 : i32
    %c0_i32_0 = arith.constant 0 : i32
    %c0_i32_1 = arith.constant 0 : i32
    return %c0_i32, %c0_i32_0 : i32, i32
  }
  func.func @transform_4(%arg0: i32) -> (i32, i32) {
    %c0_i32 = arith.constant 0 : i32
    %c0_i32_0 = arith.constant 0 : i32
    return %arg0, %c0_i32 : i32, i32
  }
  func.func @transform_5(%arg0: i32) -> (i32, i32) {
    %c0_i32 = arith.constant 0 : i32
    %c0_i32_0 = arith.constant 0 : i32
    return %arg0, %c0_i32 : i32, i32
  }
}

module attributes {stable_mosaic.version = 14 : i64} {
  func.func @_head_body(%arg0: i32, %arg1: memref<128x56x512xf32, #tpu.memory_space<vmem>>, %arg2: memref<128x56xf32, #tpu.memory_space<vmem>>, %arg3: memref<512x2xf32, #tpu.memory_space<vmem>>, %arg4: memref<128x4xf32, #tpu.memory_space<vmem>>) attributes {dimension_semantics = [#tpu.dimension_semantics<arbitrary>], iteration_bounds = array<i64: 8>, scalar_prefetch = 0 : i64, scratch_operands = 0 : i64, tpu.core_type = #tpu.core_type<tc>, window_params = [{transform_indices = @transform_0, window_bounds = array<i64: 128, 56, 512>}, {transform_indices = @transform_1, window_bounds = array<i64: 128, 56>}, {pipeline_mode = #tpu.pipeline_mode<synchronous>, transform_indices = @transform_2, window_bounds = array<i64: 512, 2>}, {transform_indices = @transform_3, window_bounds = array<i64: 128, 4>}]} {
    %get3A = arith.constant 0 : index
    %get3A_0 = arith.constant 0 : index
    %get3A_1 = arith.constant 0 : index
    %get3A_2 = vector.load %arg1[%get3A, %get3A_0, %get3A_1] : memref<128x56x512xf32, #tpu.memory_space<vmem>>, vector<128x56x512xf32>
    %get3A_3 = arith.constant 0 : index
    %get3A_4 = arith.constant 0 : index
    %get3A_5 = vector.load %arg2[%get3A_3, %get3A_4] : memref<128x56xf32, #tpu.memory_space<vmem>>, vector<128x56xf32>
    %broadcast_in_dim3A = vector.shape_cast %get3A_5 : vector<128x56xf32> to vector<128x56x1xf32>
    %mul3A = vector.broadcast %broadcast_in_dim3A : vector<128x56x1xf32> to vector<128x56x512xf32>
    %mul3A_6 = arith.mulf %get3A_2, %mul3A : vector<128x56x512xf32>
    %reduce_sum3A = arith.constant dense<0.000000e+00> : vector<128x512xf32>
    %reduce_sum3A_7 = vector.multi_reduction <add>, %mul3A_6, %reduce_sum3A [1] : vector<128x56x512xf32> to vector<128x512xf32>
    %get3A_8 = arith.constant 0 : index
    %get3A_9 = arith.constant 0 : index
    %get3A_10 = vector.load %arg3[%get3A_8, %get3A_9] : memref<512x2xf32, #tpu.memory_space<vmem>>, vector<512x2xf32>
    %dot_general3A = arith.constant dense<0.000000e+00> : vector<128x2xf32>
    %dot_general3A_11 = tpu.matmul %reduce_sum3A_7, %get3A_10, %dot_general3A {dimension_numbers = #tpu.dot_dimension_numbers<[1], [0], [0], [1], [0, 0, 1, 1], [], []>, transpose_lhs_hint = false} : vector<128x512xf32>, vector<512x2xf32>, vector<128x2xf32> -> vector<128x2xf32>
    %logistic3A = arith.negf %dot_general3A_11 : vector<128x2xf32>
    %logistic3A_12 = math.exp %logistic3A : vector<128x2xf32>
    %logistic3A_13 = arith.constant 1.000000e+00 : f32
    %logistic3A_14 = vector.broadcast %logistic3A_13 : f32 to vector<128x2xf32>
    %logistic3A_15 = arith.addf %logistic3A_14, %logistic3A_12 : vector<128x2xf32>
    %logistic3A_16 = arith.divf %logistic3A_14, %logistic3A_15 : vector<128x2xf32>
    %slice3A = vector.extract_strided_slice %logistic3A_16 {offsets = [0, 0], sizes = [128, 1], strides = [1, 1]} : vector<128x2xf32> to vector<128x1xf32>
    %sub3A = arith.constant 1.000000e+00 : f32
    %sub3A_17 = vector.broadcast %sub3A : f32 to vector<128x1xf32>
    %sub3A_18 = arith.subf %sub3A_17, %slice3A : vector<128x1xf32>
    %slice3A_19 = vector.extract_strided_slice %logistic3A_16 {offsets = [0, 1], sizes = [128, 1], strides = [1, 1]} : vector<128x2xf32> to vector<128x1xf32>
    %sub3A_20 = arith.constant 1.000000e+00 : f32
    %sub3A_21 = vector.broadcast %sub3A_20 : f32 to vector<128x1xf32>
    %sub3A_22 = arith.subf %sub3A_21, %slice3A_19 : vector<128x1xf32>
    %mul3A_23 = arith.mulf %sub3A_18, %sub3A_22 : vector<128x1xf32>
    %concatenate3A = tpu.concatenate %mul3A_23, %logistic3A_16 in 1 : vector<128x1xf32>, vector<128x2xf32> -> vector<128x3xf32>
    %jit3A = arith.constant 1.000000e-07 : f32
    %jit3A_24 = arith.constant 0.99999988 : f32
    %max3A = vector.broadcast %jit3A : f32 to vector<128x3xf32>
    %max3A_25 = arith.maximumf %max3A, %concatenate3A : vector<128x3xf32>
    %min3A = vector.broadcast %jit3A_24 : f32 to vector<128x3xf32>
    %min3A_26 = arith.minimumf %min3A, %max3A_25 : vector<128x3xf32>
    %sub3A_27 = arith.constant 1.000000e+00 : f32
    %sub3A_28 = vector.broadcast %sub3A_27 : f32 to vector<128x3xf32>
    %sub3A_29 = arith.subf %sub3A_28, %min3A_26 : vector<128x3xf32>
    %div3A = arith.divf %min3A_26, %sub3A_29 : vector<128x3xf32>
    %log3A = math.log %div3A : vector<128x3xf32>
    %reduce_max3A = arith.constant dense<0xFF800000> : vector<128xf32>
    %reduce_max3A_30 = vector.multi_reduction <maximumf>, %log3A, %reduce_max3A [1] : vector<128x3xf32> to vector<128xf32>
    %broadcast_in_dim3A_31 = vector.shape_cast %reduce_max3A_30 : vector<128xf32> to vector<128x1xf32>
    %sub3A_32 = vector.broadcast %broadcast_in_dim3A_31 : vector<128x1xf32> to vector<128x3xf32>
    %sub3A_33 = arith.subf %log3A, %sub3A_32 : vector<128x3xf32>
    %exp3A = math.exp %sub3A_33 : vector<128x3xf32>
    %reduce_sum3A_34 = arith.constant dense<0.000000e+00> : vector<128xf32>
    %reduce_sum3A_35 = vector.multi_reduction <add>, %exp3A, %reduce_sum3A_34 [1] : vector<128x3xf32> to vector<128xf32>
    %broadcast_in_dim3A_36 = vector.shape_cast %reduce_sum3A_35 : vector<128xf32> to vector<128x1xf32>
    %div3A_37 = vector.broadcast %broadcast_in_dim3A_36 : vector<128x1xf32> to vector<128x3xf32>
    %div3A_38 = arith.divf %exp3A, %div3A_37 : vector<128x3xf32>
    %broadcast_in_dim3A_39 = arith.constant 0.000000e+00 : f32
    %broadcast_in_dim3A_40 = vector.broadcast %broadcast_in_dim3A_39 : f32 to vector<128x1xf32>
    %concatenate3A_41 = tpu.concatenate %div3A_38, %broadcast_in_dim3A_40 in 1 : vector<128x3xf32>, vector<128x1xf32> -> vector<128x4xf32>
    %swap3A = arith.constant 0 : index
    %swap3A_42 = arith.constant 0 : index
    %swap3A_43 = vector.load %arg4[%swap3A, %swap3A_42] : memref<128x4xf32, #tpu.memory_space<vmem>>, vector<128x4xf32>
    tpu.vector_store %arg4[%swap3A, %swap3A_42], %concatenate3A_41 {strides = array<i32>} : memref<128x4xf32, #tpu.memory_space<vmem>>, vector<128x4xf32>,
    return
  }
  func.func @transform_0(%arg0: i32) -> (i32, i32, i32) {
    %c0_i32 = arith.constant 0 : i32
    %c0_i32_0 = arith.constant 0 : i32
    %c0_i32_1 = arith.constant 0 : i32
    return %arg0, %c0_i32, %c0_i32_0 : i32, i32, i32
  }
  func.func @transform_1(%arg0: i32) -> (i32, i32) {
    %c0_i32 = arith.constant 0 : i32
    %c0_i32_0 = arith.constant 0 : i32
    return %arg0, %c0_i32 : i32, i32
  }
  func.func @transform_2(%arg0: i32) -> (i32, i32) {
    %c0_i32 = arith.constant 0 : i32
    %c0_i32_0 = arith.constant 0 : i32
    %c0_i32_1 = arith.constant 0 : i32
    return %c0_i32, %c0_i32_0 : i32, i32
  }
  func.func @transform_3(%arg0: i32) -> (i32, i32) {
    %c0_i32 = arith.constant 0 : i32
    %c0_i32_0 = arith.constant 0 : i32
    return %arg0, %c0_i32 : i32, i32
  }
}

</mosaic_0001>

<sc_bundles>
// kernel: kernel.5.cloned.1.call-start
scs
__scs_entry_jumppad:
0x0: {  	(pc) =	sbr.rel $0x88, $3  }
0x1: {  	(tag) =	ssettag $0x0;
	lr =	simm.s32 $0x1  }
0x2: {  	[smem:$0x3F99] =	sst lr;
	_ =	strace $0xD0000000  }
0x3: {  	_ = 	snop  }
0x4: {  	_ = 	snop  }
0x5: {  	_ = 	snop  }
0x6: {  	_ = 	snop  }
0x7: {  	_ = 	snop  }
__scs_overlays_trampoline_lowered:
0x8: {  	[smem:$0x3FA8] =	sst s0  }
0x9: {  	[smem:$0x3FA9] =	sst s1  }
0xa: {  	[smem:$0x3FAA] =	sst s2  }
0xb: {  	[smem:$0x3FAB] =	sst s3  }
0xc: {  	[smem:$0x3FAC] =	sst s4  }
0xd: {  	[smem:$0x3FAD] =	sst s5  }
0xe: {  	[smem:$0x3FAE] =	sst s6  }
0xf: {  	[smem:$0x3FAF] =	sst s7  }
0x10: {  	[smem:$0x3FB0] =	sst s8  }
0x11: {  	[smem:$0x3FB1] =	sst s9;
	s0 =	simm.s32 @!p0 $0x0  }
0x12: {  	s1 =	sld [smem:$0x3F97];
	s0 =	simm.s32 @p0 $0x1  }
0x13: {  	[smem:$0x3FB2] =	sst s0;
	s0 =	simm.s32 @!p1 $0x0  }
0x14: {  	s2 =	sld [smem:$0x3F96];
	s0 =	simm.s32 @p1 $0x1  }
0x15: {  	[smem:$0x3FB3] =	sst s0;
	s0 =	simm.s32 @!p2 $0x0  }
0x16: {  	s3 =	sld [smem:$0x3FDB];
	s0 =	simm.s32 @p2 $0x1  }
0x17: {  	s4 =	simm.s32 $0x1BF5;
	[smem:$0x3FB5] =	sst s0  }
0x18: {  	s0 =	sld [smem:$0x3F98];
	_ =	swait.ge [sflag:s4], $0x0  }
0x19: {  	s7 =	sld [smem:$0x3F99]  }
0x1a: {  	s8 =	sadd.s32 $0xFFFFE003, lr  }
0x1b: {  	s9 =	sadd.s32 $0xFFFFFEF7, lr;
	s5 =	simm.s32 $0xFFFFFFFF;
	p2 =	slt.u32 s8, $0xFFFFF086  }
0x1c: {  	p1 =	slt.u32 s9, $0xF7A;
	s5 =	simm.s32 @!p2 $0x0  }
0x1d: {  	s5 =	simm.s32 @p1 $0x1;
	p0 =	seq.s32 s7, s2  }
0x1e: {  	s7 =	smul.u32 @!p0 $0xF7A, s2;
	p2 =	seq.s32 @!p0 s5, $0x0  }
0x1f: {  	s9 =	smul.u32 $0xF7A, s1;
	s8 =	simm.s32 @!p0 $0x1BF5;
	p2 =	por !p2, p0  }
0x20: {  	[sflag:s8] =	ssyncset.s32 @!p0 $0xFFFFF086;
	s6 =	sadd.s32 @!p0 s3, s7;
	s7 =	simm.s32 @!p0 $0x108  }
0x21: {  	s3 =	sadd.s32 s3, s9;
	s6 =	sadd.s32 @!p0 $0x88, s6;
	s7 =	simm.s32 @p2 $0x1082  }
0x22: {  	[simem:s7], [sflag:s8] =	dma.local @!p0 [hbm:s6], $0xF7A  }
0x23: {  	s9 =	sor.u32 $0xD0000000, s2;
	s6 =	simm.s32 $0x108;
	_ =	swait.ge @!p0 [sflag:s8], $0x0  }
0x24: {  	s3 =	sadd.s32 $0x88, s3;
	s6 =	simm.s32 @!p1 $0x1082;
	[sflag:s4] =	ssyncset.s32 $0xFFFFF086  }
0x25: {  	[simem:s6], [sflag:s4] =	dma.local [hbm:s3], $0xF7A  }
0x26: {  	[smem:$0x3F99] =	sst s1;
	(tag) =	ssettag s2;
	_ =	strace s9  }
0x27: {  	s1 =	sld [smem:$0x3FA9]  }
0x28: {  	s2 =	sld [smem:$0x3FAA]  }
0x29: {  	s4 =	sld [smem:$0x3FAC]  }
0x2a: {  	p0 =	seq.s32 s5, $0x0;
	s5 =	sld [smem:$0x3FAD]  }
0x2b: {  	s6 =	sld [smem:$0x3FAE]  }
0x2c: {  	s7 =	sld [smem:$0x3FAF]  }
0x2d: {  	s3 =	simm.s32 $0x108;
	s8 =	sld [smem:$0x3FB0]  }
0x2e: {  	s3 =	simm.s32 @!p0 $0x1082;
	s9 =	sld [smem:$0x3FB1]  }
0x2f: {  	lr =	sadd.s32 s0, s3;
	s0 =	sld [smem:$0x3FA8]  }
0x30: {  	s3 =	sld [smem:$0x3FAB]  }
0x31: {  	[smem:$0x3FB4] =	sst s10  }
0x32: {  	s10 =	sld [smem:$0x3FB2];
	_ =	sdelay $0x3  }
0x33: {  	p0 =	seq.s32 s10, $0x1;
	s10 =	sld [smem:$0x3FB4];
	_ =	sdelay $0x3  }
0x34: {  	[smem:$0x3FB4] =	sst s10  }
0x35: {  	s10 =	sld [smem:$0x3FB3];
	_ =	sdelay $0x3  }
0x36: {  	p1 =	seq.s32 s10, $0x1;
	s10 =	sld [smem:$0x3FB4];
	_ =	sdelay $0x3  }
0x37: {  	[smem:$0x3FB4] =	sst s10  }
0x38: {  	s10 =	sld [smem:$0x3FB5]  }
0x39: {  	_ = 	snop;
	(pc) =	sbr.ind lr, $3  }
0x3a: {  	_ = 	snop  }
0x3b: {  	_ = 	snop  }
0x3c: {  	p2 =	seq.s32 s10, $0x1;
	s10 =	sld [smem:$0x3FB4]  }
0x3d: {  	_ =	shalt  }
0x3e: {  	_ =	shalt  }
0x3f: {  	_ =	shalt  }
0x40: {  	_ =	shalt  }
0x41: {  	_ =	shalt  }
0x42: {  	_ =	shalt  }
0x43: {  	_ =	shalt  }
0x44: {  	_ =	shalt  }
0x45: {  	_ =	shalt  }
0x46: {  	_ =	shalt  }
0x47: {  	_ =	shalt  }
0x48: {  	_ =	shalt  }
0x49: {  	_ =	shalt  }
0x4a: {  	_ =	shalt  }
0x4b: {  	_ =	shalt  }
0x4c: {  	_ =	shalt  }
0x4d: {  	_ =	shalt  }
0x4e: {  	_ =	shalt  }
0x4f: {  	_ =	shalt  }
0x50: {  	_ =	shalt  }
0x51: {  	_ =	shalt  }
0x52: {  	_ =	shalt  }
0x53: {  	_ =	shalt  }
0x54: {  	_ =	shalt  }
0x55: {  	_ =	shalt  }
0x56: {  	_ =	shalt  }
0x57: {  	_ =	shalt  }
0x58: {  	_ =	shalt  }
0x59: {  	_ =	shalt  }
0x5a: {  	_ =	shalt  }
0x5b: {  	_ =	shalt  }
0x5c: {  	_ =	shalt  }
0x5d: {  	_ =	shalt  }
0x5e: {  	_ =	shalt  }
0x5f: {  	_ =	shalt  }
0x60: {  	_ =	shalt  }
0x61: {  	_ =	shalt  }
0x62: {  	_ =	shalt  }
0x63: {  	_ =	shalt  }
0x64: {  	_ =	shalt  }
0x65: {  	_ =	shalt  }
0x66: {  	_ =	shalt  }
0x67: {  	_ =	shalt  }
0x68: {  	_ =	shalt  }
0x69: {  	_ =	shalt  }
0x6a: {  	_ =	shalt  }
0x6b: {  	_ =	shalt  }
0x6c: {  	_ =	shalt  }
0x6d: {  	_ =	shalt  }
0x6e: {  	_ =	shalt  }
0x6f: {  	_ =	shalt  }
0x70: {  	_ =	shalt  }
0x71: {  	_ =	shalt  }
0x72: {  	_ =	shalt  }
0x73: {  	_ =	shalt  }
0x74: {  	_ =	shalt  }
0x75: {  	_ =	shalt  }
0x76: {  	_ =	shalt  }
0x77: {  	_ =	shalt  }
0x78: {  	_ =	shalt  }
0x79: {  	_ =	shalt  }
0x7a: {  	_ =	shalt  }
0x7b: {  	_ =	shalt  }
0x7c: {  	_ =	shalt  }
0x7d: {  	_ =	shalt  }
0x7e: {  	_ =	shalt  }
0x7f: {  	_ =	shalt  }
0x80: {  	_ =	shalt  }
0x81: {  	_ =	shalt  }
0x82: {  	_ =	shalt  }
0x83: {  	_ =	shalt  }
0x84: {  	_ =	shalt  }
0x85: {  	_ =	shalt  }
0x86: {  	_ =	shalt  }
0x87: {  	_ =	shalt  }
.Lfunc_end0:
.L_simem_size_0:
called_computation_lowered:
.L_overlay_start_0:
0x88: {  	s2 =	sld [smem:$0x3FD9]  }
0x89: {  	s3 =	sld [smem:$0x3FFE];
	_ =	sdelay $0x1  }
0x8a: {  	s1 =	srdreg.scid  }
0x8b: {  	s0 =	sand.u32 $0x1, s1  }
0x8c: {  	s16 =	sshll.u32 s0, $0xA;
	s2 =	sadd.s32 s3, s2  }
0x8d: {  	s2 =	sadd.s32 s2, s16  }
0x8e: {  	[smem:$0x3FC0] =	sst s2  }
0x8f: {  	_ = 	snop  }
0x90: {  	(tm) =	ssettm $0x1  }
0x91: {  	s17 =	sld [smem:$0x3FFB];
	_ =	sdelay $0x3  }
0x92: {  	_ =	strace s17  }
0x93: {  	s2 =	sld [smem:$0x3FFC];
	_ =	sdelay $0x3  }
0x94: {  	_ =	strace s2  }
0x95: {  	s2 =	sld [smem:$0x3FFD];
	_ =	sdelay $0x3  }
0x96: {  	_ =	strace s2  }
0x97: {  	_ =	strace $0x8FFFFFFF  }
0x98: {  	s18 =	sld [smem:$0x3FDB];
	_ =	sdelay $0x1  }
0x99: {  	s19 =	simm.s32 $_scs_section_size  }
0x9a: {  	s4 =	simm.s32 $_size__tile_overlayer_lowered;
	s5 =	simm.s32 $_tile_overlayer_lowered  }
0x9b: {  	s22 =	simm.s32 $0x1BFF;
	s21 =	sshll.u32 s5, $0x1;
	s2 =	sadd.s32 s19, s18  }
0x9c: {  	s6 =	simm.s32 $0x0;
	s20 =	sshll.u32 s4, $0x1;
	s4 =	sadd.s32 s21, s2  }
0x9d: {  	[timem:s6], [sflag:s22] =	dma.local [hbm:s4], s20  }
0x9e: {  	_ =	swait.ge [sflag:s22], s20  }
0x9f: {  	s3 =	ssub.s32 $0x0, s20;
	[sflag:s22] =	ssyncset.done $0x0  }
0xa0: {  	[sflag:s22] =	ssyncadd.s32 s3;
	_ =	sdelay $0x1  }
0xa1: {  	s23 =	simm.s32 $0x1B8B  }
0xa2: {  	_ =	swait.ge [sflag:s23], $0x1  }
0xa3: {  	[sflag:s23] =	ssyncset.done $0x0  }
0xa4: {  	s25 =	simm.s32 $0x1B8E;
	s24 =	sld [smem:$0x3FFE];
	[sflag:s23] =	ssyncadd.s32 $0xFFFFFFFF  }
0xa5: {  	s26 =	simm.s32 $execute0_lowered;
	[smem:$0x3FD2] =	sst s25  }
0xa6: {  	s4 =	sshll.u32 s26, $0x1;
	_ =	strace $0x80000046;
	[dreg:$0x1] =	wrdreg $0xFFFFFFFF  }
0xa7: {  	s28 =	simm.s32 $_size_execute0_lowered;
	s2 =	sadd.s32 s2, s4;
	[dreg:$0x0] =	wrdreg $0x0  }
0xa8: {  	s4 =	sshll.u32 s28, $0x1;
	[dreg:$0x2] =	wrdreg s2  }
0xa9: {  	[dreg:$0x3] =	wrdreg s4  }
0xaa: {  	[dreg:$0x4] =	wrdreg $0xC0  }
0xab: {  	_ =	task [dreg:s6], $0x5FFFF  }
0xac: {  	[dreg:$0x1] =	wrdreg $0xFFFFFFFF  }
0xad: {  	[dreg:$0x0] =	wrdreg $0x60  }
0xae: {  	[dreg:$0x2] =	wrdreg s24  }
0xaf: {  	[dreg:$0x3] =	wrdreg $0x9  }
0xb0: {  	_ =	task.clear_ibuf [dreg:s6], $0x4FFFF;
	_ =	strace $0x90000046  }
0xb1: {  	s29 =	simm.s32 $0x9;
	_ =	strace $0x80000048  }
0xb2: {  	_ =	swait.ge [sflag:s29], $0x1  }
0xb3: {  	[sflag:s29] =	ssyncadd.s32 $0xFFFFFFFF  }
0xb4: {  	_ =	strace $0x90000048  }
0xb5: {  	_ =	sfence  }
0xb6: {  	s30 =	sld [smem:$0x0];
	_ =	sdelay $0x2  }
0xb7: {  	s31 =	sshll.u32 s1, $0xD;
	s1 =	sshrl.u32 s1, $0x2  }
0xb8: {  	s3 =	sand.u32 $0x4000, s31;
	s1 =	sadd.s32 s1, s30  }
0xb9: {  	s0 =	sor.u32 s3, s0;
	s1 =	sshll.u32 s1, $0x11  }
0xba: {  	s0 =	sor.u32 s1, s0  }
0xbb: {  	s0 =	sadd.s32 $0x8F2B, s0  }
0xbc: {  	[sflag:s0] =	ssyncadd.remote.s32 $0x1  }
0xbd: {  	_ =	sfence.sel $0xFFFF  }
0xbe: {  	[dreg:$0x0] =	wrdreg $0xFFFFFFFF;
	(pc) =	sbr.abs _section_cstart, $3  }
0xbf: {  	[dreg:$0x1] =	wrdreg $0xFFFFFFFF  }
0xc0: {  	_ =	task.clear_ibuf [dreg:s6], $0x2FFFF;
	_ =	strace $0x9FFFFFFF  }
0xc1: {  	(tm) =	ssettm $0x7FFFFFFF  }
tec
execute0_lowered:
.L_overlay_start_1:
0x0: {  	(tag) =	ssettag $0x1  }
0x1: {  	s5 =	rddreg [dreg:$0x0]  }
0x2: {  	s0 =	rddreg [dreg:$0x1];
	s2 =	simm.s32 $0x0;
	s3 =	srdreg.scid  }
0x3: {  	s1 =	stileid.u32;
	s12 =	simm.s32 $0x1080;
	s13 =	simm.s32 $0x1880  }
0x4: {  	s14 =	simm.s32 $0x2080;
	s15 =	simm.s32 $0x2880;
	s16 =	simm.s32 $0x3080  }
0x5: {  	s17 =	simm.s32 $0x3880;
	s18 =	simm.s32 $0x4080;
	s19 =	simm.s32 $0x4880  }
0x6: {  	s20 =	simm.s32 $0x5080;
	s21 =	simm.s32 $0x5880;
	s22 =	simm.s32 $0x6080  }
0x7: {  	s23 =	simm.s32 $0x6880;
	s24 =	simm.s32 $0x1;
	s25 =	simm.s32 $0x0  }
0x8: {  	[smem:$0x7FF] =	sst s2;
	s6 =	sand.u32 $0x1, s3;
	s7 =	smul.u32 $0x38000, s1  }
0x9: {  	s3 =	sadd.s32 $0xE00, s5;
	s4 =	sadd.s32 $0x60400, s5;
	s31 =	sshll.u32 s1, $0xA  }
0xa: {  	_ =	strace $0x80000047;
	s8 =	ssub.s32 $0x2, s6;
	s30 =	smul.u32 $0x1C000, s6  }
0xb: {  	s11 =	sshll.u32 s6, $0x9;
	s9 =	sshrl.u32 s8, $0x1;
	s10 =	sadd.s32 s7, s5  }
0xc: {  	v2 =	vlaneseq.u32;
	s5 =	sadd.s32 $0x60500, s5;
	s7 =	sor.u32 s11, s31;
	s11 =	simm.s32 $0x880  }
0xd: {  	vm0 =	vmmov $0xffff;
	v1 =	vshrl.u32 v2, $0x3;
	s29 =	ssub.s32 s8, s9;
	s8 =	sadd.s32 s30, s10;
	s9 =	simm.s32 $0x2  }
0xe: {  	v0 =	vand.u32 $0x7, v2;
	v2 =	vor.u32 $0x8, v2;
	v1 =	vmul.u32 $0x8, v1;
	s10 =	simm.s32 $0x80;
	s6 =	smax.u32 s29, $0x1;
	s8 =	sadd.s32 $0x32D800, s8  }
.LBB2_1:
0xf: {  	s26 =	smov.u32 s8;
	s28 =	simm.s32 $0x0  }
.LBB2_2:
0x10: {  	s29 =	sadd.s32 s28, s7;
	s30 =	sand.u32 $0x70, s28  }
0x11: {  	s29 =	sand.u32 $0x3F80, s29;
	s30 =	sadd.s32 s3, s30  }
0x12: {  	s29 =	sadd.s32 s29, s30  }
0x13: {  	[tilespmem:s2], [sflag:$0x2] =	stream.linear.gather [hbm4b:s29+s2], $0x80, $0x38;
	[tilespmem:$0x7080] =	vst v63  }
0x14: {  	_ =	swait.ge [sflag:s9], $0x80  }
0x15: {  	[sflag:s9] =	ssyncset.done $0x0  }
0x16: {  	[sflag:s9] =	ssyncadd.s32 $0xFFFFFF80  }
0x17: {  	v3 =	vld [tilespmem:$0x0];
	_ =	sdelay $0x4  }
0x18: {  	v4 =	vshll.u32 v3, $0x2  }
0x19: {  	v3 =	vand.u32 $0x7, v3;
	v4 =	vand.u32 $0xFFFFFFE0, v4  }
0x1a: {  	v3 =	vor.u32 v3, v4  }
0x1b: {  	v4 =	vperm.xlane v3, v0;
	_ =	sdelay $0x1  }
0x1c: {  	v4 =	vadd.s32 v1, v4;
	_ =	sdelay $0x1  }
0x1d: {  	v3 =	vperm.xlane v3, v2;
	_ =	sdelay $0x1  }
0x1e: {  	v3 =	vadd.s32 v1, v3  }
0x1f: {  	[tilespmem:s10], [sflag:$0x1] =	stream.indirect_vreg.gather [hbm4b:s4+s2], $0x80, v4, vm0, $0xb8;
	[tilespmem:$0x7080] =	vst v63  }
0x20: {  	_ = 	snop  }
0x21: {  	[tilespmem:s11], [sflag:$0x1] =	stream.indirect_vreg.gather [hbm4b:s5+s2], $0x80, v4, vm0, $0xb8;
	[tilespmem:$0x7080] =	vst v63  }
0x22: {  	_ = 	snop  }
0x23: {  	[tilespmem:s12], [sflag:$0x1] =	stream.indirect_vreg.gather [hbm4b:s4+s2], $0x80, v3, vm0, $0xb8;
	[tilespmem:$0x7080] =	vst v63  }
0x24: {  	_ = 	snop  }
0x25: {  	[tilespmem:s13], [sflag:$0x1] =	stream.indirect_vreg.gather [hbm4b:s5+s2], $0x80, v3, vm0, $0xb8;
	[tilespmem:$0x7080] =	vst v63  }
0x26: {  	v3 =	vld [tilespmem:$0x10];
	_ =	sdelay $0x4  }
0x27: {  	v61 =	vshll.u32 v3, $0x2  }
0x28: {  	v3 =	vand.u32 $0x7, v3;
	v4 =	vand.u32 $0xFFFFFFE0, v61  }
0x29: {  	v3 =	vor.u32 v3, v4  }
0x2a: {  	v4 =	vperm.xlane v3, v0;
	_ =	sdelay $0x1  }
0x2b: {  	v4 =	vadd.s32 v1, v4;
	_ =	sdelay $0x1  }
0x2c: {  	v3 =	vperm.xlane v3, v2;
	_ =	sdelay $0x1  }
0x2d: {  	v3 =	vadd.s32 v1, v3  }
0x2e: {  	[tilespmem:s14], [sflag:$0x1] =	stream.indirect_vreg.gather [hbm4b:s4+s2], $0x80, v4, vm0, $0xb8;
	[tilespmem:$0x7080] =	vst v63  }
0x2f: {  	_ = 	snop  }
0x30: {  	[tilespmem:s15], [sflag:$0x1] =	stream.indirect_vreg.gather [hbm4b:s5+s2], $0x80, v4, vm0, $0xb8;
	[tilespmem:$0x7080] =	vst v63  }
0x31: {  	_ = 	snop  }
0x32: {  	[tilespmem:s16], [sflag:$0x1] =	stream.indirect_vreg.gather [hbm4b:s4+s2], $0x80, v3, vm0, $0xb8;
	[tilespmem:$0x7080] =	vst v63  }
0x33: {  	_ = 	snop  }
0x34: {  	[tilespmem:s17], [sflag:$0x1] =	stream.indirect_vreg.gather [hbm4b:s5+s2], $0x80, v3, vm0, $0xb8;
	[tilespmem:$0x7080] =	vst v63  }
0x35: {  	v3 =	vld [tilespmem:$0x20];
	_ =	sdelay $0x4  }
0x36: {  	v62 =	vshll.u32 v3, $0x2  }
0x37: {  	v3 =	vand.u32 $0x7, v3;
	v4 =	vand.u32 $0xFFFFFFE0, v62  }
0x38: {  	v3 =	vor.u32 v3, v4  }
0x39: {  	v4 =	vperm.xlane v3, v0;
	_ =	sdelay $0x1  }
0x3a: {  	v4 =	vadd.s32 v1, v4;
	_ =	sdelay $0x1  }
0x3b: {  	v3 =	vperm.xlane v3, v2;
	_ =	sdelay $0x1  }
0x3c: {  	v3 =	vadd.s32 v1, v3  }
0x3d: {  	[tilespmem:s18], [sflag:$0x1] =	stream.indirect_vreg.gather [hbm4b:s4+s2], $0x80, v4, vm0, $0xb8;
	[tilespmem:$0x7080] =	vst v63  }
0x3e: {  	_ = 	snop  }
0x3f: {  	[tilespmem:s19], [sflag:$0x1] =	stream.indirect_vreg.gather [hbm4b:s5+s2], $0x80, v4, vm0, $0xb8;
	[tilespmem:$0x7080] =	vst v63  }
0x40: {  	_ = 	snop  }
0x41: {  	[tilespmem:s20], [sflag:$0x1] =	stream.indirect_vreg.gather [hbm4b:s4+s2], $0x80, v3, vm0, $0xb8;
	[tilespmem:$0x7080] =	vst v63  }
0x42: {  	_ = 	snop  }
0x43: {  	[tilespmem:s21], [sflag:$0x1] =	stream.indirect_vreg.gather [hbm4b:s5+s2], $0x80, v3, vm0, $0xb8;
	[tilespmem:$0x7080] =	vst v63  }
0x44: {  	v3 =	vld.msk [tilespmem:$0x30], $0xff;
	_ =	sdelay $0x4  }
0x45: {  	v63 =	vshll.u32 v3, $0x2  }
0x46: {  	v3 =	vand.u32 $0x7, v3;
	v4 =	vand.u32 $0xFFFFFFE0, v63  }
0x47: {  	v3 =	vor.u32 v3, v4  }
0x48: {  	v3 =	vperm.xlane v3, v0;
	_ =	sdelay $0x1  }
0x49: {  	v3 =	vadd.s32 v1, v3;
	_ =	sdelay $0x4  }
0x4a: {  	[tilespmem:s22], [sflag:$0x1] =	stream.indirect_vreg.gather [hbm4b:s4+s2], $0x80, v3, vm0, $0xb8;
	[tilespmem:$0x7080] =	vst v63  }
0x4b: {  	_ = 	snop  }
0x4c: {  	[tilespmem:s23], [sflag:$0x1] =	stream.indirect_vreg.gather [hbm4b:s5+s2], $0x80, v3, vm0, $0xb8;
	[tilespmem:$0x7080] =	vst v63  }
0x4d: {  	_ =	swait.ge [sflag:s24], $0x7000  }
0x4e: {  	p0 =	sne.s32 s28, $0x1F0;
	[sflag:s24] =	ssyncset.done $0x0  }
.Ltmp0:
0x4f: {  	[sflag:s24] =	ssyncadd.s32 $0xFFFF9000;
	(pc) =	sbr.rel @p0 .LBB2_2-.Ltmp0, $4  }
0x50: {  	[hbm4b:s26+s2] =	stream.linear.scatter [tilespmem:s10], [sflag:$0x2], $0x7000, $0x38;
	[tilespmem:$0x7080] =	vst v63  }
0x51: {  	_ =	swait.ge [sflag:s9], $0x7000  }
0x52: {  	[sflag:s9] =	ssyncset.done $0x0  }
0x53: {  	s28 =	sadd.s32 $0x10, s28;
	s26 =	sadd.s32 $0xE00, s26;
	[sflag:s9] =	ssyncadd.s32 $0xFFFF9000  }
0x54: {  	s25 =	sadd.s32 $0x1, s25  }
0x55: {  	p0 =	sne.s32 s25, s6  }
.Ltmp1:
0x56: {  	_ = 	snop;
	(pc) =	sbr.rel @p0 .LBB2_1-.Ltmp1, $1  }
0x57: {  	_ =	sdelay $0x3  }
0x58: {  	_ =	sfence.sel $0x180000  }
0x59: {  	[bflag:$0x0] =	sbarrier.arrive $0xFFFF  }
0x5a: {  	p0 =	sne.s32 s1, $0x0;
	_ =	strace $0x90000047  }
0x5b: {  	s0 =	sadd.s32 @!p0 $0x100000, s0;
	[bflag:$0x2] =	sbarrier.arrive $0xFFFF  }
0x5c: {  	[sflag:s0] =	ssyncadd.tile.s32 @!p0 $0x1;
	_ =	shalt  }
.Lfunc_end2:
_tile_overlayer_lowered:
.L_overlay_start_2:
0x5d: {  	(tag) =	ssettag $0x2  }
0x5e: {  	s0 =	rddreg [dreg:$0x0];
	s2 =	stileid.u32  }
0x5f: {  	s1 =	rddreg [dreg:$0x1];
	p0 =	sne.s32 s2, $0x0  }
0x60: {  	s3 =	rddreg [dreg:$0x2];
	[bflag:$0x3] =	sbarrier.arrive $0xFFFF;
	s2 =	simm.s32 @!p0 $0x1C02  }
0x61: {  	[timem:s3], [sflag:s2] =	dma.local @!p0 [hbm:s0], s1  }
0x62: {  	s0 =	simm.s32 @!p0 $0x2  }
0x63: {  	_ =	swait.ge @!p0 [sflag:s0], s1  }
0x64: {  	s1 =	ssub.s32 @!p0 $0x0, s1;
	[sflag:s0] =	ssyncset.done @!p0 $0x0  }
0x65: {  	[sflag:s0] =	ssyncadd.s32 @!p0 s1  }
0x66: {  	[bflag:$0x3] =	sbarrier.arrive $0xFFFF  }
0x67: {  	_ =	shalt  }

</sc_bundles>
